<compile_context>
chip_gen: v7x
topology: tpu7x:2x2x1
jax: 0.10.2.dev20260603
libtpu: 0.0.44.dev20260713+nightly
codegen_flags: <defaults>
</compile_context>

<pallas_src>
import functools

import jax
import jax.numpy as jnp
from jax import lax
from jax.experimental import pallas as pl
from jax.experimental.pallas import tpu as pltpu
from jax.experimental.pallas import tpu_sc as plsc

N = 10000
E = 160000
HV_DIM = 256
HE_DIM = 16
QD = 32
TAU = 0.25

NC = 2
NS = 16
NW = NC * NS
EPW = 5120
EP = NW * EPW
CH = 128
NCHUNK = EPW // CH
N_PAD = 10240
ROWS_PER_TILE = N_PAD // NS
NSLOT = 3


def _softplus(x):
    return jnp.maximum(x, 0.0) + jnp.log1p(jnp.exp(-jnp.abs(x)))



def _node_body(hv, p, q, m, wpv, bpv, wdis, bdis, fv_o, lam_o, qn_o):
    h = hv[...]
    fv_o[...] = jnp.dot(h, wpv[...], preferred_element_type=jnp.float32) + bpv[...]
    t = jnp.dot(h, wdis[...], preferred_element_type=jnp.float32) + bdis[...]
    lam_o[...] = _softplus(t)
    qn_o[...] = q[...] + TAU * (p[...] / m[...])


def _node_call(hv, p, q, m, wpv, bpv, wdis, bdis):
    BN = 2000
    grid = N // BN
    return pl.pallas_call(
        _node_body,
        grid=(grid,),
        in_specs=[
            pl.BlockSpec((BN, HV_DIM), lambda i: (i, 0)),
            pl.BlockSpec((BN, QD), lambda i: (i, 0)),
            pl.BlockSpec((BN, QD), lambda i: (i, 0)),
            pl.BlockSpec((BN, 1), lambda i: (i, 0)),
            pl.BlockSpec((HV_DIM, QD), lambda i: (0, 0)),
            pl.BlockSpec((1, QD), lambda i: (0, 0)),
            pl.BlockSpec((HV_DIM, 1), lambda i: (0, 0)),
            pl.BlockSpec((1, 1), lambda i: (0, 0)),
        ],
        out_specs=[
            pl.BlockSpec((BN, QD), lambda i: (i, 0)),
            pl.BlockSpec((BN, 1), lambda i: (i, 0)),
            pl.BlockSpec((BN, QD), lambda i: (i, 0)),
        ],
        out_shape=[
            jax.ShapeDtypeStruct((N, QD), jnp.float32),
            jax.ShapeDtypeStruct((N, 1), jnp.float32),
            jax.ShapeDtypeStruct((N, QD), jnp.float32),
        ],
    )(hv, p, q, m, wpv, bpv.reshape(1, QD), wdis, bdis.reshape(1, 1))



E_ROWS = E // CH
EP_ROWS = EP // CH


def _edge_body(het, w, b, k_o):
    x = het[...]
    t = jnp.sum(x * w[...], axis=0) + b[...][0]
    k = _softplus(t)
    k_o[...] = jnp.concatenate([k, jnp.zeros((EP - E,), jnp.float32)])


def _edge_call(he, wpe, bpe):
    het = he.T
    return pl.pallas_call(
        _edge_body,
        grid=(1,),
        in_specs=[
            pl.BlockSpec((HE_DIM, E), lambda i: (0, 0)),
            pl.BlockSpec((HE_DIM, 1), lambda i: (0, 0)),
            pl.BlockSpec((1,), lambda i: (0,)),
        ],
        out_specs=pl.BlockSpec((EP,), lambda i: (0,)),
        out_shape=jax.ShapeDtypeStruct((EP,), jnp.float32),
    )(het, wpe, bpe)



def _sc_body(q_hbm, srcp, dstp, kp, zeros_hbm, gout,
             is_all, id_all, k_all, qs_v, qd_v, mp_v, gs_p, gs_n,
             sem_s, sem_d, sem_u):
    c = lax.axis_index("c")
    s = lax.axis_index("s")
    wid = s * NC + c

    row0 = wid * NCHUNK
    pltpu.sync_copy(srcp.at[pl.ds(row0, NCHUNK)], is_all)
    pltpu.sync_copy(dstp.at[pl.ds(row0, NCHUNK)], id_all)
    pltpu.sync_copy(kp.at[pl.ds(wid * EPW, EPW)], k_all)

    rsl = pl.ds(s * ROWS_PER_TILE, ROWS_PER_TILE)
    pltpu.sync_copy(zeros_hbm.at[rsl], gs_p.at[rsl])
    pltpu.sync_copy(zeros_hbm.at[rsl], gs_n.at[rsl])
    plsc.subcore_barrier()

    def fire(i):
        slot = lax.rem(i, NSLOT)
        pltpu.async_copy(q_hbm.at[is_all.at[i]], qs_v.at[slot], sem_s)
        pltpu.async_copy(q_hbm.at[id_all.at[i]], qd_v.at[slot], sem_d)

    fire(0)
    fire(1)

    def chunk(i, carry):
        slot = lax.rem(i, NSLOT)

        @pl.when(i + 2 < NCHUNK)
        def _():
            fire(i + 2)

        pltpu.make_async_copy(q_hbm.at[is_all.at[i]], qs_v.at[slot], sem_s).wait()
        pltpu.make_async_copy(q_hbm.at[id_all.at[i]], qd_v.at[slot], sem_d).wait()

        @pl.when(i >= NSLOT)
        def _():
            pltpu.make_async_copy(mp_v.at[slot], gs_p.at[is_all.at[i]], sem_u).wait()
            pltpu.make_async_copy(mp_v.at[slot], gs_n.at[id_all.at[i]], sem_u).wait()

        def group(g, carry2):
            kg = k_all[pl.ds(i * CH + g * 16, 16)]
            for j in range(16):
                e = g * 16 + j
                kv = kg[j]
                for half in range(2):
                    sl = pl.ds(half * 16, 16)
                    d = qs_v[slot, e, sl] - qd_v[slot, e, sl]
                    mp_v[slot, e, sl] = kv * d
            return carry2

        lax.fori_loop(0, CH // 16, group, 0)

        pltpu.async_copy(mp_v.at[slot], gs_p.at[is_all.at[i]], sem_u, add=True)
        pltpu.async_copy(mp_v.at[slot], gs_n.at[id_all.at[i]], sem_u, add=True)
        return carry

    lax.fori_loop(0, NCHUNK, chunk, 0)

    for _ in range(2 * NSLOT):
        pltpu.make_async_copy(mp_v.at[0], gs_p.at[is_all.at[0]], sem_u).wait()
    plsc.subcore_barrier()

    pltpu.sync_copy(gs_p.at[rsl], gout.at[c, 0, rsl])
    pltpu.sync_copy(gs_n.at[rsl], gout.at[c, 1, rsl])


def _sc_call(q, srcp, dstp, kp, zeros):
    mesh = plsc.VectorSubcoreMesh(core_axis_name="c", subcore_axis_name="s")
    f = pl.kernel(
        _sc_body,
        out_type=jax.ShapeDtypeStruct((NC, 2, N_PAD, QD), jnp.float32),
        mesh=mesh,
        scratch_types=[
            pltpu.VMEM((NCHUNK, CH), jnp.int32),
            pltpu.VMEM((NCHUNK, CH), jnp.int32),
            pltpu.VMEM((EPW,), jnp.float32),
            pltpu.VMEM((NSLOT, CH, QD), jnp.float32),
            pltpu.VMEM((NSLOT, CH, QD), jnp.float32),
            pltpu.VMEM((NSLOT, CH, QD), jnp.float32),
            pltpu.VMEM_SHARED((N_PAD, QD), jnp.float32),
            pltpu.VMEM_SHARED((N_PAD, QD), jnp.float32),
            pltpu.SemaphoreType.DMA,
            pltpu.SemaphoreType.DMA,
            pltpu.SemaphoreType.DMA,
        ],
        compiler_params=pltpu.CompilerParams(use_tc_tiling_on_sc=False),
    )
    return f(q, srcp, dstp, kp, zeros)



def _final_body(p, fv, lam, gp, pn_o):
    g = gp[0, 0] + gp[1, 0] - gp[0, 1] - gp[1, 1]
    dp = -(fv[...] + g) - lam[...] * p[...]
    pn_o[...] = p[...] + TAU * dp


def _final_call(p, fv, lam, gpart):
    BN = 2000
    grid = N // BN
    return pl.pallas_call(
        _final_body,
        grid=(grid,),
        in_specs=[
            pl.BlockSpec((BN, QD), lambda i: (i, 0)),
            pl.BlockSpec((BN, QD), lambda i: (i, 0)),
            pl.BlockSpec((BN, 1), lambda i: (i, 0)),
            pl.BlockSpec((NC, 2, BN, QD), lambda i: (0, 0, i, 0)),
        ],
        out_specs=pl.BlockSpec((BN, QD), lambda i: (i, 0)),
        out_shape=jax.ShapeDtypeStruct((N, QD), jnp.float32),
    )(p, fv, lam, gpart)



@jax.jit
def kernel(hv_ftr, he_ftr, massive, p_ftr, q_ftr, edge_index,
           W_dis, b_dis, W_pe, b_pe, W_pv, b_pv):
    fv, lam, q_new = _node_call(hv_ftr, p_ftr, q_ftr, massive,
                                W_pv, b_pv, W_dis, b_dis)
    k = _edge_call(he_ftr, W_pe, b_pe)

    pad = EP - E
    srcp = jnp.pad(edge_index[0], (0, pad)).reshape(EP_ROWS, CH)
    dstp = jnp.pad(edge_index[1], (0, pad)).reshape(EP_ROWS, CH)
    zeros = jnp.zeros((N_PAD, QD), jnp.float32)

    gpart = _sc_call(q_ftr, srcp, dstp, k, zeros)
    p_new = _final_call(p_ftr, fv, lam, gpart)
    return (p_new, q_new)

# --- scband reference (transcript-rebuilt; emitter-appended) ---
"""Pipeline reference for scband-informed-hamiltonian-kernel-33767032881606 (READ-ONLY COPY).

The authoritative reference and input builder live on the scoring server;
editing this copy changes nothing except your own understanding.
"""

import jax, jax.numpy as jnp
import numpy as np

N = 10000
E = 160000
HV_DIM = 256
HE_DIM = 16
P_DIM = 32
Q_DIM = 32
TAU = 0.25


def setup_inputs(seed: int = 0):
    key = jax.random.key(seed)
    ks = jax.random.split(key, 12)
    hv_ftr = jax.random.normal(ks[0], (N, HV_DIM), dtype=jnp.float32)
    he_ftr = jax.random.normal(ks[1], (E, HE_DIM), dtype=jnp.float32)
    massive = jax.random.uniform(ks[2], (N, 1), dtype=jnp.float32, minval=0.5, maxval=1.5)
    p_ftr = jax.random.normal(ks[3], (N, P_DIM), dtype=jnp.float32)
    q_ftr = jax.random.normal(ks[4], (N, Q_DIM), dtype=jnp.float32)
    edge_index = jax.random.randint(ks[5], (2, E), 0, N, dtype=jnp.int32)
    W_dis = jax.random.normal(ks[6], (HV_DIM, 1), dtype=jnp.float32) / np.sqrt(HV_DIM)
    b_dis = jnp.zeros((1,), dtype=jnp.float32)
    W_pe = jax.random.normal(ks[7], (HE_DIM, 1), dtype=jnp.float32) / np.sqrt(HE_DIM)
    b_pe = jnp.zeros((1,), dtype=jnp.float32)
    W_pv = jax.random.normal(ks[8], (HV_DIM, Q_DIM), dtype=jnp.float32) / np.sqrt(HV_DIM)
    b_pv = jnp.zeros((Q_DIM,), dtype=jnp.float32)
    return {"hv_ftr": hv_ftr, "he_ftr": he_ftr, "massive": massive, "p_ftr": p_ftr, "q_ftr": q_ftr, "edge_index": edge_index, "W_dis": W_dis, "b_dis": b_dis, "W_pe": W_pe, "b_pe": b_pe, "W_pv": W_pv, "b_pv": b_pv}


def reference(hv_ftr, he_ftr, massive, p_ftr, q_ftr, edge_index, W_dis, b_dis, W_pe, b_pe, W_pv, b_pv):
    # DissipativeHamiltonianDerivation: dq = dH/dp ; dp = -dH/dq - dF/dp
    # H = kinetic (p^2 / 2m) + edge spring potential on q + node field potential on q
    # F = per-node learned friction * |p|^2 / 2
    src = edge_index[0]
    dst = edge_index[1]

    def hamiltonian(p, q):
        kinetic = jnp.sum(jnp.sum(p * p, axis=-1, keepdims=True) / (2.0 * massive))
        k_e = jax.nn.softplus(he_ftr @ W_pe + b_pe)  # [E, 1] edge stiffness
        dq_e = jnp.take(q, src, axis=0) - jnp.take(q, dst, axis=0)  # gather
        potential_e = 0.5 * jnp.sum(k_e * jnp.sum(dq_e * dq_e, axis=-1, keepdims=True))
        f_v = hv_ftr @ W_pv + b_pv  # [N, Q_DIM] node field
        potential_v = jnp.sum(f_v * q)
        return kinetic + potential_e + potential_v

    def dissipated(p):
        lam = jax.nn.softplus(hv_ftr @ W_dis + b_dis)  # [N, 1] friction coeff
        return 0.5 * jnp.sum(lam * jnp.sum(p * p, axis=-1, keepdims=True))

    dH_dp = jax.grad(hamiltonian, argnums=0)(p_ftr, q_ftr)
    dH_dq = jax.grad(hamiltonian, argnums=1)(p_ftr, q_ftr)  # includes scatter-add over dst/src
    dF_dp = jax.grad(dissipated)(p_ftr)
    dq = dH_dp
    dp = -dH_dq - dF_dp
    p_new = p_ftr + dp * TAU
    q_new = q_ftr + dq * TAU
    return (p_new, q_new)

if __name__ == "__main__":
    import jax
    _d = setup_inputs()
    print(jax.jit(kernel)(*tuple(_d.values())))

</pallas_src>

<mosaic_0001>
#map = affine_map<(d0, d1) -> (0, 0)>
#map1 = affine_map<(d0, d1) -> (0)>
#map2 = affine_map<(d0, d1) -> (0, 0, 0, 0)>
module attributes {stable_mosaic.version = 14 : i64} {
  func.func @_sc_body(%arg0: i32, %arg1: i32, %arg2: memref<10000x32xf32, #tpu.memory_space<hbm>>, %arg3: memref<1280x128xi32, #tpu.memory_space<hbm>>, %arg4: memref<1280x128xi32, #tpu.memory_space<hbm>>, %arg5: memref<163840xf32, #tpu.memory_space<hbm>>, %arg6: memref<10240x32xf32, #tpu.memory_space<hbm>>, %arg7: memref<2x2x10240x32xf32, #tpu.memory_space<hbm>>, %arg8: memref<40x128xi32, #tpu.memory_space<vmem>>, %arg9: memref<40x128xi32, #tpu.memory_space<vmem>>, %arg10: memref<5120xf32, #tpu.memory_space<vmem>>, %arg11: memref<3x128x32xf32, #tpu.memory_space<vmem>>, %arg12: memref<3x128x32xf32, #tpu.memory_space<vmem>>, %arg13: memref<3x128x32xf32, #tpu.memory_space<vmem>>, %arg14: memref<10240x32xf32, #tpu.memory_space<vmem_shared>>, %arg15: memref<10240x32xf32, #tpu.memory_space<vmem_shared>>, %arg16: memref<!tpu.dma_semaphore, #tpu.memory_space<semaphore_mem>>, %arg17: memref<!tpu.dma_semaphore, #tpu.memory_space<semaphore_mem>>, %arg18: memref<!tpu.dma_semaphore, #tpu.memory_space<semaphore_mem>>) attributes {dimension_semantics = [#tpu.dimension_semantics<core_parallel>, #tpu.dimension_semantics<subcore_parallel>], iteration_bounds = array<i64: 2, 16>, scalar_prefetch = 0 : i64, scratch_operands = 11 : i64, tpu.core_type = #tpu.core_type<sc_vector_subcore>, window_params = [{transform_indices = #map}, {transform_indices = #map}, {transform_indices = #map}, {transform_indices = #map1}, {transform_indices = #map}, {transform_indices = #map2}]} {
    %mul3A = arith.constant 2 : i32
    %mul3A_0 = arith.muli %arg1, %mul3A : i32
    %add3A = arith.addi %mul3A_0, %arg0 : i32
    %mul3A_1 = arith.constant 40 : i32
    %mul3A_2 = arith.muli %add3A, %mul3A_1 : i32
    "tpu.region"() ({
      %run_scoped3A_133 = tpu.sem_alloc : memref<!tpu.dma_semaphore, #tpu.memory_space<semaphore_mem>>
      %dma_start3A_134 = arith.constant 0 : i32
      %dma_start3A_135 = tpu.memref_slice %arg3[%mul3A_2, %dma_start3A_134] : memref<1280x128xi32, #tpu.memory_space<hbm>> -> memref<40x128xi32, #tpu.memory_space<hbm>>
      %dma_start3A_136 = arith.constant 0 : i32
      %dma_start3A_137 = tpu.memref_slice %arg3[%mul3A_2, %dma_start3A_136] : memref<1280x128xi32, #tpu.memory_space<hbm>> -> memref<40x128xi32, #tpu.memory_space<hbm>>
      tpu.enqueue_dma source(%dma_start3A_137 : memref<40x128xi32, #tpu.memory_space<hbm>>) target(%arg8 : memref<40x128xi32, #tpu.memory_space<vmem>>) target_semaphore(%run_scoped3A_133 : memref<!tpu.dma_semaphore, #tpu.memory_space<semaphore_mem>>)
      %dma_wait3A_138 = arith.constant 0 : i32
      %dma_wait3A_139 = tpu.memref_slice %arg3[%mul3A_2, %dma_wait3A_138] : memref<1280x128xi32, #tpu.memory_space<hbm>> -> memref<40x128xi32, #tpu.memory_space<hbm>>
      %dma_wait3A_140 = arith.constant 0 : i32
      %dma_wait3A_141 = tpu.memref_slice %arg3[%mul3A_2, %dma_wait3A_140] : memref<1280x128xi32, #tpu.memory_space<hbm>> -> memref<40x128xi32, #tpu.memory_space<hbm>>
      tpu.wait_dma2 semaphore(%run_scoped3A_133 : memref<!tpu.dma_semaphore, #tpu.memory_space<semaphore_mem>>) src(%dma_wait3A_141 : memref<40x128xi32, #tpu.memory_space<hbm>>) dst(%arg8 : memref<40x128xi32, #tpu.memory_space<vmem>>)
      tpu.yield
    }) : () -> ()
    "tpu.region"() ({
      %run_scoped3A_133 = tpu.sem_alloc : memref<!tpu.dma_semaphore, #tpu.memory_space<semaphore_mem>>
      %dma_start3A_134 = arith.constant 0 : i32
      %dma_start3A_135 = tpu.memref_slice %arg4[%mul3A_2, %dma_start3A_134] : memref<1280x128xi32, #tpu.memory_space<hbm>> -> memref<40x128xi32, #tpu.memory_space<hbm>>
      %dma_start3A_136 = arith.constant 0 : i32
      %dma_start3A_137 = tpu.memref_slice %arg4[%mul3A_2, %dma_start3A_136] : memref<1280x128xi32, #tpu.memory_space<hbm>> -> memref<40x128xi32, #tpu.memory_space<hbm>>
      tpu.enqueue_dma source(%dma_start3A_137 : memref<40x128xi32, #tpu.memory_space<hbm>>) target(%arg9 : memref<40x128xi32, #tpu.memory_space<vmem>>) target_semaphore(%run_scoped3A_133 : memref<!tpu.dma_semaphore, #tpu.memory_space<semaphore_mem>>)
      %dma_wait3A_138 = arith.constant 0 : i32
      %dma_wait3A_139 = tpu.memref_slice %arg4[%mul3A_2, %dma_wait3A_138] : memref<1280x128xi32, #tpu.memory_space<hbm>> -> memref<40x128xi32, #tpu.memory_space<hbm>>
      %dma_wait3A_140 = arith.constant 0 : i32
      %dma_wait3A_141 = tpu.memref_slice %arg4[%mul3A_2, %dma_wait3A_140] : memref<1280x128xi32, #tpu.memory_space<hbm>> -> memref<40x128xi32, #tpu.memory_space<hbm>>
      tpu.wait_dma2 semaphore(%run_scoped3A_133 : memref<!tpu.dma_semaphore, #tpu.memory_space<semaphore_mem>>) src(%dma_wait3A_141 : memref<40x128xi32, #tpu.memory_space<hbm>>) dst(%arg9 : memref<40x128xi32, #tpu.memory_space<vmem>>)
      tpu.yield
    }) : () -> ()
    %mul3A_3 = arith.constant 5120 : i32
    %mul3A_4 = arith.muli %add3A, %mul3A_3 : i32
    "tpu.region"() ({
      %run_scoped3A_133 = tpu.sem_alloc : memref<!tpu.dma_semaphore, #tpu.memory_space<semaphore_mem>>
      %dma_start3A_134 = tpu.memref_slice %arg5[%mul3A_4] : memref<163840xf32, #tpu.memory_space<hbm>> -> memref<5120xf32, #tpu.memory_space<hbm>>
      %dma_start3A_135 = tpu.memref_slice %arg5[%mul3A_4] : memref<163840xf32, #tpu.memory_space<hbm>> -> memref<5120xf32, #tpu.memory_space<hbm>>
      tpu.enqueue_dma source(%dma_start3A_135 : memref<5120xf32, #tpu.memory_space<hbm>>) target(%arg10 : memref<5120xf32, #tpu.memory_space<vmem>>) target_semaphore(%run_scoped3A_133 : memref<!tpu.dma_semaphore, #tpu.memory_space<semaphore_mem>>)
      %dma_wait3A_136 = tpu.memref_slice %arg5[%mul3A_4] : memref<163840xf32, #tpu.memory_space<hbm>> -> memref<5120xf32, #tpu.memory_space<hbm>>
      %dma_wait3A_137 = tpu.memref_slice %arg5[%mul3A_4] : memref<163840xf32, #tpu.memory_space<hbm>> -> memref<5120xf32, #tpu.memory_space<hbm>>
      tpu.wait_dma2 semaphore(%run_scoped3A_133 : memref<!tpu.dma_semaphore, #tpu.memory_space<semaphore_mem>>) src(%dma_wait3A_137 : memref<5120xf32, #tpu.memory_space<hbm>>) dst(%arg10 : memref<5120xf32, #tpu.memory_space<vmem>>)
      tpu.yield
    }) : () -> ()
    %mul3A_5 = arith.constant 640 : i32
    %mul3A_6 = arith.muli %arg1, %mul3A_5 : i32
    "tpu.region"() ({
      %run_scoped3A_133 = tpu.sem_alloc : memref<!tpu.dma_semaphore, #tpu.memory_space<semaphore_mem>>
      %dma_start3A_134 = arith.constant 0 : i32
      %dma_start3A_135 = tpu.memref_slice %arg14[%mul3A_6, %dma_start3A_134] : memref<10240x32xf32, #tpu.memory_space<vmem_shared>> -> memref<640x32xf32, #tpu.memory_space<vmem_shared>>
      %dma_start3A_136 = arith.constant 0 : i32
      %dma_start3A_137 = tpu.memref_slice %arg6[%mul3A_6, %dma_start3A_136] : memref<10240x32xf32, #tpu.memory_space<hbm>> -> memref<640x32xf32, #tpu.memory_space<hbm>>
      tpu.enqueue_dma source(%dma_start3A_137 : memref<640x32xf32, #tpu.memory_space<hbm>>) target(%dma_start3A_135 : memref<640x32xf32, #tpu.memory_space<vmem_shared>>) target_semaphore(%run_scoped3A_133 : memref<!tpu.dma_semaphore, #tpu.memory_space<semaphore_mem>>)
      %dma_wait3A_138 = arith.constant 0 : i32
      %dma_wait3A_139 = tpu.memref_slice %arg14[%mul3A_6, %dma_wait3A_138] : memref<10240x32xf32, #tpu.memory_space<vmem_shared>> -> memref<640x32xf32, #tpu.memory_space<vmem_shared>>
      %dma_wait3A_140 = arith.constant 0 : i32
      %dma_wait3A_141 = tpu.memref_slice %arg6[%mul3A_6, %dma_wait3A_140] : memref<10240x32xf32, #tpu.memory_space<hbm>> -> memref<640x32xf32, #tpu.memory_space<hbm>>
      tpu.wait_dma2 semaphore(%run_scoped3A_133 : memref<!tpu.dma_semaphore, #tpu.memory_space<semaphore_mem>>) src(%dma_wait3A_141 : memref<640x32xf32, #tpu.memory_space<hbm>>) dst(%dma_wait3A_139 : memref<640x32xf32, #tpu.memory_space<vmem_shared>>)
      tpu.yield
    }) : () -> ()
    "tpu.region"() ({
      %run_scoped3A_133 = tpu.sem_alloc : memref<!tpu.dma_semaphore, #tpu.memory_space<semaphore_mem>>
      %dma_start3A_134 = arith.constant 0 : i32
      %dma_start3A_135 = tpu.memref_slice %arg15[%mul3A_6, %dma_start3A_134] : memref<10240x32xf32, #tpu.memory_space<vmem_shared>> -> memref<640x32xf32, #tpu.memory_space<vmem_shared>>
      %dma_start3A_136 = arith.constant 0 : i32
      %dma_start3A_137 = tpu.memref_slice %arg6[%mul3A_6, %dma_start3A_136] : memref<10240x32xf32, #tpu.memory_space<hbm>> -> memref<640x32xf32, #tpu.memory_space<hbm>>
      tpu.enqueue_dma source(%dma_start3A_137 : memref<640x32xf32, #tpu.memory_space<hbm>>) target(%dma_start3A_135 : memref<640x32xf32, #tpu.memory_space<vmem_shared>>) target_semaphore(%run_scoped3A_133 : memref<!tpu.dma_semaphore, #tpu.memory_space<semaphore_mem>>)
      %dma_wait3A_138 = arith.constant 0 : i32
      %dma_wait3A_139 = tpu.memref_slice %arg15[%mul3A_6, %dma_wait3A_138] : memref<10240x32xf32, #tpu.memory_space<vmem_shared>> -> memref<640x32xf32, #tpu.memory_space<vmem_shared>>
      %dma_wait3A_140 = arith.constant 0 : i32
      %dma_wait3A_141 = tpu.memref_slice %arg6[%mul3A_6, %dma_wait3A_140] : memref<10240x32xf32, #tpu.memory_space<hbm>> -> memref<640x32xf32, #tpu.memory_space<hbm>>
      tpu.wait_dma2 semaphore(%run_scoped3A_133 : memref<!tpu.dma_semaphore, #tpu.memory_space<semaphore_mem>>) src(%dma_wait3A_141 : memref<640x32xf32, #tpu.memory_space<hbm>>) dst(%dma_wait3A_139 : memref<640x32xf32, #tpu.memory_space<vmem_shared>>)
      tpu.yield
    }) : () -> ()
    %barrier3A = arith.constant 0 : index
    tpu.barrier barrier_id(%barrier3A)
    %rem3A = arith.constant 0 : i32
    %rem3A_7 = arith.constant 3 : i32
    %rem3A_8 = arith.remsi %rem3A, %rem3A_7 : i32
    %dma_start3A = arith.constant 0 : i32
    %dma_start3A_9 = arith.constant 0 : i32
    %dma_start3A_10 = arith.constant 0 : i32
    %dma_start3A_11 = tpu.memref_slice %arg11[%rem3A_8, %dma_start3A_9, %dma_start3A_10] : memref<3x128x32xf32, #tpu.memory_space<vmem>> -> memref<1x128x32xf32, #tpu.memory_space<vmem>>
    %dma_start3A_12 = tpu.memref_squeeze %dma_start3A_11 : memref<1x128x32xf32, #tpu.memory_space<vmem>> -> memref<128x32xf32, #tpu.memory_space<vmem>>
    %dma_start3A_13 = arith.constant 0 : i32
    %dma_start3A_14 = tpu.memref_slice %arg8[%dma_start3A, %dma_start3A_13] : memref<40x128xi32, #tpu.memory_space<vmem>> -> memref<1x128xi32, #tpu.memory_space<vmem>>
    %dma_start3A_15 = tpu.memref_squeeze %dma_start3A_14 : memref<1x128xi32, #tpu.memory_space<vmem>> -> memref<128xi32, #tpu.memory_space<vmem>>
    %dma_start3A_16 = arith.constant 0 : i32
    %dma_start3A_17 = arith.constant 0 : i32
    %dma_start3A_18 = tpu.memref_slice %arg2[%dma_start3A_16, %dma_start3A_17] : memref<10000x32xf32, #tpu.memory_space<hbm>> -> memref<10000x32xf32, #tpu.memory_space<hbm>>
    tpu.enqueue_indirect_dma source(%dma_start3A_18 : memref<10000x32xf32, #tpu.memory_space<hbm>>) target(%dma_start3A_12 : memref<128x32xf32, #tpu.memory_space<vmem>>) offsets(%dma_start3A_15 : memref<128xi32, #tpu.memory_space<vmem>>) semaphore(%arg16 : memref<!tpu.dma_semaphore, #tpu.memory_space<semaphore_mem>>)
    %dma_start3A_19 = arith.constant 0 : i32
    %dma_start3A_20 = arith.constant 0 : i32
    %dma_start3A_21 = arith.constant 0 : i32
    %dma_start3A_22 = tpu.memref_slice %arg12[%rem3A_8, %dma_start3A_20, %dma_start3A_21] : memref<3x128x32xf32, #tpu.memory_space<vmem>> -> memref<1x128x32xf32, #tpu.memory_space<vmem>>
    %dma_start3A_23 = tpu.memref_squeeze %dma_start3A_22 : memref<1x128x32xf32, #tpu.memory_space<vmem>> -> memref<128x32xf32, #tpu.memory_space<vmem>>
    %dma_start3A_24 = arith.constant 0 : i32
    %dma_start3A_25 = tpu.memref_slice %arg9[%dma_start3A_19, %dma_start3A_24] : memref<40x128xi32, #tpu.memory_space<vmem>> -> memref<1x128xi32, #tpu.memory_space<vmem>>
    %dma_start3A_26 = tpu.memref_squeeze %dma_start3A_25 : memref<1x128xi32, #tpu.memory_space<vmem>> -> memref<128xi32, #tpu.memory_space<vmem>>
    %dma_start3A_27 = arith.constant 0 : i32
    %dma_start3A_28 = arith.constant 0 : i32
    %dma_start3A_29 = tpu.memref_slice %arg2[%dma_start3A_27, %dma_start3A_28] : memref<10000x32xf32, #tpu.memory_space<hbm>> -> memref<10000x32xf32, #tpu.memory_space<hbm>>
    tpu.enqueue_indirect_dma source(%dma_start3A_29 : memref<10000x32xf32, #tpu.memory_space<hbm>>) target(%dma_start3A_23 : memref<128x32xf32, #tpu.memory_space<vmem>>) offsets(%dma_start3A_26 : memref<128xi32, #tpu.memory_space<vmem>>) semaphore(%arg17 : memref<!tpu.dma_semaphore, #tpu.memory_space<semaphore_mem>>)
    %rem3A_30 = arith.constant 1 : i32
    %rem3A_31 = arith.constant 3 : i32
    %rem3A_32 = arith.remsi %rem3A_30, %rem3A_31 : i32
    %dma_start3A_33 = arith.constant 1 : i32
    %dma_start3A_34 = arith.constant 0 : i32
    %dma_start3A_35 = arith.constant 0 : i32
    %dma_start3A_36 = tpu.memref_slice %arg11[%rem3A_32, %dma_start3A_34, %dma_start3A_35] : memref<3x128x32xf32, #tpu.memory_space<vmem>> -> memref<1x128x32xf32, #tpu.memory_space<vmem>>
    %dma_start3A_37 = tpu.memref_squeeze %dma_start3A_36 : memref<1x128x32xf32, #tpu.memory_space<vmem>> -> memref<128x32xf32, #tpu.memory_space<vmem>>
    %dma_start3A_38 = arith.constant 0 : i32
    %dma_start3A_39 = tpu.memref_slice %arg8[%dma_start3A_33, %dma_start3A_38] : memref<40x128xi32, #tpu.memory_space<vmem>> -> memref<1x128xi32, #tpu.memory_space<vmem>>
    %dma_start3A_40 = tpu.memref_squeeze %dma_start3A_39 : memref<1x128xi32, #tpu.memory_space<vmem>> -> memref<128xi32, #tpu.memory_space<vmem>>
    %dma_start3A_41 = arith.constant 0 : i32
    %dma_start3A_42 = arith.constant 0 : i32
    %dma_start3A_43 = tpu.memref_slice %arg2[%dma_start3A_41, %dma_start3A_42] : memref<10000x32xf32, #tpu.memory_space<hbm>> -> memref<10000x32xf32, #tpu.memory_space<hbm>>
    tpu.enqueue_indirect_dma source(%dma_start3A_43 : memref<10000x32xf32, #tpu.memory_space<hbm>>) target(%dma_start3A_37 : memref<128x32xf32, #tpu.memory_space<vmem>>) offsets(%dma_start3A_40 : memref<128xi32, #tpu.memory_space<vmem>>) semaphore(%arg16 : memref<!tpu.dma_semaphore, #tpu.memory_space<semaphore_mem>>)
    %dma_start3A_44 = arith.constant 1 : i32
    %dma_start3A_45 = arith.constant 0 : i32
    %dma_start3A_46 = arith.constant 0 : i32
    %dma_start3A_47 = tpu.memref_slice %arg12[%rem3A_32, %dma_start3A_45, %dma_start3A_46] : memref<3x128x32xf32, #tpu.memory_space<vmem>> -> memref<1x128x32xf32, #tpu.memory_space<vmem>>
    %dma_start3A_48 = tpu.memref_squeeze %dma_start3A_47 : memref<1x128x32xf32, #tpu.memory_space<vmem>> -> memref<128x32xf32, #tpu.memory_space<vmem>>
    %dma_start3A_49 = arith.constant 0 : i32
    %dma_start3A_50 = tpu.memref_slice %arg9[%dma_start3A_44, %dma_start3A_49] : memref<40x128xi32, #tpu.memory_space<vmem>> -> memref<1x128xi32, #tpu.memory_space<vmem>>
    %dma_start3A_51 = tpu.memref_squeeze %dma_start3A_50 : memref<1x128xi32, #tpu.memory_space<vmem>> -> memref<128xi32, #tpu.memory_space<vmem>>
    %dma_start3A_52 = arith.constant 0 : i32
    %dma_start3A_53 = arith.constant 0 : i32
    %dma_start3A_54 = tpu.memref_slice %arg2[%dma_start3A_52, %dma_start3A_53] : memref<10000x32xf32, #tpu.memory_space<hbm>> -> memref<10000x32xf32, #tpu.memory_space<hbm>>
    tpu.enqueue_indirect_dma source(%dma_start3A_54 : memref<10000x32xf32, #tpu.memory_space<hbm>>) target(%dma_start3A_48 : memref<128x32xf32, #tpu.memory_space<vmem>>) offsets(%dma_start3A_51 : memref<128xi32, #tpu.memory_space<vmem>>) semaphore(%arg17 : memref<!tpu.dma_semaphore, #tpu.memory_space<semaphore_mem>>)
    %scan3A = arith.constant 0 : i32
    %scan3A_55 = arith.constant 0 : i32
    %scan3A_56 = arith.constant 40 : i32
    %scan3A_57 = arith.addi %scan3A_55, %scan3A_56 : i32
    %scan3A_58 = arith.constant 1 : i32
    scf.for %scan3A_133 = %scan3A_55 to %scan3A_57 step %scan3A_58  : i32 {
      %rem3A_134 = arith.constant 3 : i32
      %rem3A_135 = arith.remsi %scan3A_133, %rem3A_134 : i32
      %add3A_136 = arith.constant 2 : i32
      %add3A_137 = arith.addi %scan3A_133, %add3A_136 : i32
      %lt3A = arith.constant 40 : i32
      %lt3A_138 = arith.cmpi slt, %add3A_137, %lt3A : i32
      %convert_element_type3A = arith.extui %lt3A_138 : i1 to i32
      %cond3A = arith.constant 0 : i32
      %cond3A_139 = arith.cmpi ne, %convert_element_type3A, %cond3A : i32
      scf.if %cond3A_139 {
        %add3A_190 = arith.constant 2 : i32
        %add3A_191 = arith.addi %scan3A_133, %add3A_190 : i32
        %rem3A_192 = arith.constant 3 : i32
        %rem3A_193 = arith.remsi %add3A_191, %rem3A_192 : i32
        %dma_start3A_194 = arith.constant 0 : i32
        %dma_start3A_195 = arith.constant 0 : i32
        %dma_start3A_196 = tpu.memref_slice %arg11[%rem3A_193, %dma_start3A_194, %dma_start3A_195] : memref<3x128x32xf32, #tpu.memory_space<vmem>> -> memref<1x128x32xf32, #tpu.memory_space<vmem>>
        %dma_start3A_197 = tpu.memref_squeeze %dma_start3A_196 : memref<1x128x32xf32, #tpu.memory_space<vmem>> -> memref<128x32xf32, #tpu.memory_space<vmem>>
        %dma_start3A_198 = arith.constant 0 : i32
        %dma_start3A_199 = tpu.memref_slice %arg8[%add3A_191, %dma_start3A_198] : memref<40x128xi32, #tpu.memory_space<vmem>> -> memref<1x128xi32, #tpu.memory_space<vmem>>
        %dma_start3A_200 = tpu.memref_squeeze %dma_start3A_199 : memref<1x128xi32, #tpu.memory_space<vmem>> -> memref<128xi32, #tpu.memory_space<vmem>>
        %dma_start3A_201 = arith.constant 0 : i32
        %dma_start3A_202 = arith.constant 0 : i32
        %dma_start3A_203 = tpu.memref_slice %arg2[%dma_start3A_201, %dma_start3A_202] : memref<10000x32xf32, #tpu.memory_space<hbm>> -> memref<10000x32xf32, #tpu.memory_space<hbm>>
        tpu.enqueue_indirect_dma source(%dma_start3A_203 : memref<10000x32xf32, #tpu.memory_space<hbm>>) target(%dma_start3A_197 : memref<128x32xf32, #tpu.memory_space<vmem>>) offsets(%dma_start3A_200 : memref<128xi32, #tpu.memory_space<vmem>>) semaphore(%arg16 : memref<!tpu.dma_semaphore, #tpu.memory_space<semaphore_mem>>)
        %dma_start3A_204 = arith.constant 0 : i32
        %dma_start3A_205 = arith.constant 0 : i32
        %dma_start3A_206 = tpu.memref_slice %arg12[%rem3A_193, %dma_start3A_204, %dma_start3A_205] : memref<3x128x32xf32, #tpu.memory_space<vmem>> -> memref<1x128x32xf32, #tpu.memory_space<vmem>>
        %dma_start3A_207 = tpu.memref_squeeze %dma_start3A_206 : memref<1x128x32xf32, #tpu.memory_space<vmem>> -> memref<128x32xf32, #tpu.memory_space<vmem>>
        %dma_start3A_208 = arith.constant 0 : i32
        %dma_start3A_209 = tpu.memref_slice %arg9[%add3A_191, %dma_start3A_208] : memref<40x128xi32, #tpu.memory_space<vmem>> -> memref<1x128xi32, #tpu.memory_space<vmem>>
        %dma_start3A_210 = tpu.memref_squeeze %dma_start3A_209 : memref<1x128xi32, #tpu.memory_space<vmem>> -> memref<128xi32, #tpu.memory_space<vmem>>
        %dma_start3A_211 = arith.constant 0 : i32
        %dma_start3A_212 = arith.constant 0 : i32
        %dma_start3A_213 = tpu.memref_slice %arg2[%dma_start3A_211, %dma_start3A_212] : memref<10000x32xf32, #tpu.memory_space<hbm>> -> memref<10000x32xf32, #tpu.memory_space<hbm>>
        tpu.enqueue_indirect_dma source(%dma_start3A_213 : memref<10000x32xf32, #tpu.memory_space<hbm>>) target(%dma_start3A_207 : memref<128x32xf32, #tpu.memory_space<vmem>>) offsets(%dma_start3A_210 : memref<128xi32, #tpu.memory_space<vmem>>) semaphore(%arg17 : memref<!tpu.dma_semaphore, #tpu.memory_space<semaphore_mem>>)
      } else {
      }
      %dma_wait3A_140 = arith.constant 0 : i32
      %dma_wait3A_141 = arith.constant 0 : i32
      %dma_wait3A_142 = tpu.memref_slice %arg11[%rem3A_135, %dma_wait3A_140, %dma_wait3A_141] : memref<3x128x32xf32, #tpu.memory_space<vmem>> -> memref<1x128x32xf32, #tpu.memory_space<vmem>>
      %dma_wait3A_143 = tpu.memref_squeeze %dma_wait3A_142 : memref<1x128x32xf32, #tpu.memory_space<vmem>> -> memref<128x32xf32, #tpu.memory_space<vmem>>
      %dma_wait3A_144 = arith.constant 0 : i32
      %dma_wait3A_145 = tpu.memref_slice %arg8[%scan3A_133, %dma_wait3A_144] : memref<40x128xi32, #tpu.memory_space<vmem>> -> memref<1x128xi32, #tpu.memory_space<vmem>>
      %dma_wait3A_146 = tpu.memref_squeeze %dma_wait3A_145 : memref<1x128xi32, #tpu.memory_space<vmem>> -> memref<128xi32, #tpu.memory_space<vmem>>
      %dma_wait3A_147 = arith.constant 0 : i32
      %dma_wait3A_148 = arith.constant 0 : i32
      %dma_wait3A_149 = tpu.memref_slice %arg2[%dma_wait3A_147, %dma_wait3A_148] : memref<10000x32xf32, #tpu.memory_space<hbm>> -> memref<10000x32xf32, #tpu.memory_space<hbm>>
      tpu.wait_indirect_dma semaphore(%arg16 : memref<!tpu.dma_semaphore, #tpu.memory_space<semaphore_mem>>) src(%dma_wait3A_149 : memref<10000x32xf32, #tpu.memory_space<hbm>>) dst(%dma_wait3A_143 : memref<128x32xf32, #tpu.memory_space<vmem>>)
      %dma_wait3A_150 = arith.constant 0 : i32
      %dma_wait3A_151 = arith.constant 0 : i32
      %dma_wait3A_152 = tpu.memref_slice %arg12[%rem3A_135, %dma_wait3A_150, %dma_wait3A_151] : memref<3x128x32xf32, #tpu.memory_space<vmem>> -> memref<1x128x32xf32, #tpu.memory_space<vmem>>
      %dma_wait3A_153 = tpu.memref_squeeze %dma_wait3A_152 : memref<1x128x32xf32, #tpu.memory_space<vmem>> -> memref<128x32xf32, #tpu.memory_space<vmem>>
      %dma_wait3A_154 = arith.constant 0 : i32
      %dma_wait3A_155 = tpu.memref_slice %arg9[%scan3A_133, %dma_wait3A_154] : memref<40x128xi32, #tpu.memory_space<vmem>> -> memref<1x128xi32, #tpu.memory_space<vmem>>
      %dma_wait3A_156 = tpu.memref_squeeze %dma_wait3A_155 : memref<1x128xi32, #tpu.memory_space<vmem>> -> memref<128xi32, #tpu.memory_space<vmem>>
      %dma_wait3A_157 = arith.constant 0 : i32
      %dma_wait3A_158 = arith.constant 0 : i32
      %dma_wait3A_159 = tpu.memref_slice %arg2[%dma_wait3A_157, %dma_wait3A_158] : memref<10000x32xf32, #tpu.memory_space<hbm>> -> memref<10000x32xf32, #tpu.memory_space<hbm>>
      tpu.wait_indirect_dma semaphore(%arg17 : memref<!tpu.dma_semaphore, #tpu.memory_space<semaphore_mem>>) src(%dma_wait3A_159 : memref<10000x32xf32, #tpu.memory_space<hbm>>) dst(%dma_wait3A_153 : memref<128x32xf32, #tpu.memory_space<vmem>>)
      %ge3A = arith.constant 3 : i32
      %ge3A_160 = arith.cmpi sge, %scan3A_133, %ge3A : i32
      %convert_element_type3A_161 = arith.extui %ge3A_160 : i1 to i32
      %cond3A_162 = arith.constant 0 : i32
      %cond3A_163 = arith.cmpi ne, %convert_element_type3A_161, %cond3A_162 : i32
      scf.if %cond3A_163 {
        %dma_wait3A_190 = arith.constant 0 : i32
        %dma_wait3A_191 = arith.constant 0 : i32
        %dma_wait3A_192 = tpu.memref_slice %arg13[%rem3A_135, %dma_wait3A_190, %dma_wait3A_191] : memref<3x128x32xf32, #tpu.memory_space<vmem>> -> memref<1x128x32xf32, #tpu.memory_space<vmem>>
        %dma_wait3A_193 = tpu.memref_squeeze %dma_wait3A_192 : memref<1x128x32xf32, #tpu.memory_space<vmem>> -> memref<128x32xf32, #tpu.memory_space<vmem>>
        %dma_wait3A_194 = arith.constant 0 : i32
        %dma_wait3A_195 = tpu.memref_slice %arg8[%scan3A_133, %dma_wait3A_194] : memref<40x128xi32, #tpu.memory_space<vmem>> -> memref<1x128xi32, #tpu.memory_space<vmem>>
        %dma_wait3A_196 = tpu.memref_squeeze %dma_wait3A_195 : memref<1x128xi32, #tpu.memory_space<vmem>> -> memref<128xi32, #tpu.memory_space<vmem>>
        %dma_wait3A_197 = arith.constant 0 : i32
        %dma_wait3A_198 = arith.constant 0 : i32
        %dma_wait3A_199 = tpu.memref_slice %arg14[%dma_wait3A_197, %dma_wait3A_198] : memref<10240x32xf32, #tpu.memory_space<vmem_shared>> -> memref<10240x32xf32, #tpu.memory_space<vmem_shared>>
        tpu.wait_indirect_dma semaphore(%arg18 : memref<!tpu.dma_semaphore, #tpu.memory_space<semaphore_mem>>) src(%dma_wait3A_193 : memref<128x32xf32, #tpu.memory_space<vmem>>) dst(%dma_wait3A_199 : memref<10240x32xf32, #tpu.memory_space<vmem_shared>>)
        %dma_wait3A_200 = arith.constant 0 : i32
        %dma_wait3A_201 = arith.constant 0 : i32
        %dma_wait3A_202 = tpu.memref_slice %arg13[%rem3A_135, %dma_wait3A_200, %dma_wait3A_201] : memref<3x128x32xf32, #tpu.memory_space<vmem>> -> memref<1x128x32xf32, #tpu.memory_space<vmem>>
        %dma_wait3A_203 = tpu.memref_squeeze %dma_wait3A_202 : memref<1x128x32xf32, #tpu.memory_space<vmem>> -> memref<128x32xf32, #tpu.memory_space<vmem>>
        %dma_wait3A_204 = arith.constant 0 : i32
        %dma_wait3A_205 = tpu.memref_slice %arg9[%scan3A_133, %dma_wait3A_204] : memref<40x128xi32, #tpu.memory_space<vmem>> -> memref<1x128xi32, #tpu.memory_space<vmem>>
        %dma_wait3A_206 = tpu.memref_squeeze %dma_wait3A_205 : memref<1x128xi32, #tpu.memory_space<vmem>> -> memref<128xi32, #tpu.memory_space<vmem>>
        %dma_wait3A_207 = arith.constant 0 : i32
        %dma_wait3A_208 = arith.constant 0 : i32
        %dma_wait3A_209 = tpu.memref_slice %arg15[%dma_wait3A_207, %dma_wait3A_208] : memref<10240x32xf32, #tpu.memory_space<vmem_shared>> -> memref<10240x32xf32, #tpu.memory_space<vmem_shared>>
        tpu.wait_indirect_dma semaphore(%arg18 : memref<!tpu.dma_semaphore, #tpu.memory_space<semaphore_mem>>) src(%dma_wait3A_203 : memref<128x32xf32, #tpu.memory_space<vmem>>) dst(%dma_wait3A_209 : memref<10240x32xf32, #tpu.memory_space<vmem_shared>>)
      } else {
      }
      %scan3A_164 = arith.constant 0 : i32
      %scan3A_165 = arith.constant 0 : i32
      %scan3A_166 = arith.constant 8 : i32
      %scan3A_167 = arith.addi %scan3A_165, %scan3A_166 : i32
      %scan3A_168 = arith.constant 1 : i32
      scf.for %scan3A_190 = %scan3A_165 to %scan3A_167 step %scan3A_168  : i32 {
        %mul3A_191 = arith.constant 128 : i32
        %mul3A_192 = arith.muli %scan3A_133, %mul3A_191 : i32
        %mul3A_193 = arith.constant 16 : i32
        %mul3A_194 = arith.muli %scan3A_190, %mul3A_193 : i32
        %add3A_195 = arith.addi %mul3A_192, %mul3A_194 : i32
        %get3A = arith.index_cast %add3A_195 : i32 to index
        %get3A_196 = tpu.vector_load %arg10[%get3A] {strides = array<i32>} : memref<5120xf32, #tpu.memory_space<vmem>>, vector<16xf32>,
        %get3A_197 = vector.shape_cast %get3A_196 : vector<16xf32> to vector<16xf32>
        %mul3A_198 = arith.constant 16 : i32
        %mul3A_199 = arith.muli %scan3A_190, %mul3A_198 : i32
        %add3A_200 = arith.constant 0 : i32
        %add3A_201 = arith.addi %mul3A_199, %add3A_200 : i32
        %slice3A = vector.extract_strided_slice %get3A_197 {offsets = [0], sizes = [1], strides = [1]} : vector<16xf32> to vector<1xf32>
        %squeeze3A = vector.extract %slice3A[0] : f32 from vector<1xf32>
        %get3A_202 = arith.index_cast %rem3A_135 : i32 to index
        %get3A_203 = arith.index_cast %add3A_201 : i32 to index
        %get3A_204 = arith.constant 0 : index
        %get3A_205 = tpu.vector_load %arg11[%get3A_202, %get3A_203, %get3A_204] {strides = array<i32>} : memref<3x128x32xf32, #tpu.memory_space<vmem>>, vector<1x1x16xf32>,
        %get3A_206 = vector.shape_cast %get3A_205 : vector<1x1x16xf32> to vector<16xf32>
        %get3A_207 = arith.index_cast %rem3A_135 : i32 to index
        %get3A_208 = arith.index_cast %add3A_201 : i32 to index
        %get3A_209 = arith.constant 0 : index
        %get3A_210 = tpu.vector_load %arg12[%get3A_207, %get3A_208, %get3A_209] {strides = array<i32>} : memref<3x128x32xf32, #tpu.memory_space<vmem>>, vector<1x1x16xf32>,
        %get3A_211 = vector.shape_cast %get3A_210 : vector<1x1x16xf32> to vector<16xf32>
        %sub3A = arith.subf %get3A_206, %get3A_211 : vector<16xf32>
        %mul3A_212 = vector.broadcast %squeeze3A : f32 to vector<16xf32>
        %mul3A_213 = arith.mulf %mul3A_212, %sub3A : vector<16xf32>
        %swap3A = arith.index_cast %rem3A_135 : i32 to index
        %swap3A_214 = arith.index_cast %add3A_201 : i32 to index
        %swap3A_215 = arith.constant 0 : index
        %swap3A_216 = tpu.vector_load %arg13[%swap3A, %swap3A_214, %swap3A_215] {strides = array<i32>} : memref<3x128x32xf32, #tpu.memory_space<vmem>>, vector<1x1x16xf32>,
        %swap3A_217 = vector.shape_cast %swap3A_216 : vector<1x1x16xf32> to vector<16xf32>
        %swap3A_218 = vector.shape_cast %mul3A_213 : vector<16xf32> to vector<1x1x16xf32>
        tpu.vector_store %arg13[%swap3A, %swap3A_214, %swap3A_215], %swap3A_218 {strides = array<i32>} : memref<3x128x32xf32, #tpu.memory_space<vmem>>, vector<1x1x16xf32>,
        %get3A_219 = arith.index_cast %rem3A_135 : i32 to index
        %get3A_220 = arith.index_cast %add3A_201 : i32 to index
        %get3A_221 = arith.constant 16 : index
        %get3A_222 = tpu.vector_load %arg11[%get3A_219, %get3A_220, %get3A_221] {strides = array<i32>} : memref<3x128x32xf32, #tpu.memory_space<vmem>>, vector<1x1x16xf32>,
        %get3A_223 = vector.shape_cast %get3A_222 : vector<1x1x16xf32> to vector<16xf32>
        %get3A_224 = arith.index_cast %rem3A_135 : i32 to index
        %get3A_225 = arith.index_cast %add3A_201 : i32 to index
        %get3A_226 = arith.constant 16 : index
        %get3A_227 = tpu.vector_load %arg12[%get3A_224, %get3A_225, %get3A_226] {strides = array<i32>} : memref<3x128x32xf32, #tpu.memory_space<vmem>>, vector<1x1x16xf32>,
        %get3A_228 = vector.shape_cast %get3A_227 : vector<1x1x16xf32> to vector<16xf32>
        %sub3A_229 = arith.subf %get3A_223, %get3A_228 : vector<16xf32>
        %mul3A_230 = vector.broadcast %squeeze3A : f32 to vector<16xf32>
        %mul3A_231 = arith.mulf %mul3A_230, %sub3A_229 : vector<16xf32>
        %swap3A_232 = arith.index_cast %rem3A_135 : i32 to index
        %swap3A_233 = arith.index_cast %add3A_201 : i32 to index
        %swap3A_234 = arith.constant 16 : index
        %swap3A_235 = tpu.vector_load %arg13[%swap3A_232, %swap3A_233, %swap3A_234] {strides = array<i32>} : memref<3x128x32xf32, #tpu.memory_space<vmem>>, vector<1x1x16xf32>,
        %swap3A_236 = vector.shape_cast %swap3A_235 : vector<1x1x16xf32> to vector<16xf32>
        %swap3A_237 = vector.shape_cast %mul3A_231 : vector<16xf32> to vector<1x1x16xf32>
        tpu.vector_store %arg13[%swap3A_232, %swap3A_233, %swap3A_234], %swap3A_237 {strides = array<i32>} : memref<3x128x32xf32, #tpu.memory_space<vmem>>, vector<1x1x16xf32>,
        %mul3A_238 = arith.constant 16 : i32
        %mul3A_239 = arith.muli %scan3A_190, %mul3A_238 : i32
        %add3A_240 = arith.constant 1 : i32
        %add3A_241 = arith.addi %mul3A_239, %add3A_240 : i32
        %slice3A_242 = vector.extract_strided_slice %get3A_197 {offsets = [1], sizes = [1], strides = [1]} : vector<16xf32> to vector<1xf32>
        %squeeze3A_243 = vector.extract %slice3A_242[0] : f32 from vector<1xf32>
        %get3A_244 = arith.index_cast %rem3A_135 : i32 to index
        %get3A_245 = arith.index_cast %add3A_241 : i32 to index
        %get3A_246 = arith.constant 0 : index
        %get3A_247 = tpu.vector_load %arg11[%get3A_244, %get3A_245, %get3A_246] {strides = array<i32>} : memref<3x128x32xf32, #tpu.memory_space<vmem>>, vector<1x1x16xf32>,
        %get3A_248 = vector.shape_cast %get3A_247 : vector<1x1x16xf32> to vector<16xf32>
        %get3A_249 = arith.index_cast %rem3A_135 : i32 to index
        %get3A_250 = arith.index_cast %add3A_241 : i32 to index
        %get3A_251 = arith.constant 0 : index
        %get3A_252 = tpu.vector_load %arg12[%get3A_249, %get3A_250, %get3A_251] {strides = array<i32>} : memref<3x128x32xf32, #tpu.memory_space<vmem>>, vector<1x1x16xf32>,
        %get3A_253 = vector.shape_cast %get3A_252 : vector<1x1x16xf32> to vector<16xf32>
        %sub3A_254 = arith.subf %get3A_248, %get3A_253 : vector<16xf32>
        %mul3A_255 = vector.broadcast %squeeze3A_243 : f32 to vector<16xf32>
        %mul3A_256 = arith.mulf %mul3A_255, %sub3A_254 : vector<16xf32>
        %swap3A_257 = arith.index_cast %rem3A_135 : i32 to index
        %swap3A_258 = arith.index_cast %add3A_241 : i32 to index
        %swap3A_259 = arith.constant 0 : index
        %swap3A_260 = tpu.vector_load %arg13[%swap3A_257, %swap3A_258, %swap3A_259] {strides = array<i32>} : memref<3x128x32xf32, #tpu.memory_space<vmem>>, vector<1x1x16xf32>,
        %swap3A_261 = vector.shape_cast %swap3A_260 : vector<1x1x16xf32> to vector<16xf32>
        %swap3A_262 = vector.shape_cast %mul3A_256 : vector<16xf32> to vector<1x1x16xf32>
        tpu.vector_store %arg13[%swap3A_257, %swap3A_258, %swap3A_259], %swap3A_262 {strides = array<i32>} : memref<3x128x32xf32, #tpu.memory_space<vmem>>, vector<1x1x16xf32>,
        %get3A_263 = arith.index_cast %rem3A_135 : i32 to index
        %get3A_264 = arith.index_cast %add3A_241 : i32 to index
        %get3A_265 = arith.constant 16 : index
        %get3A_266 = tpu.vector_load %arg11[%get3A_263, %get3A_264, %get3A_265] {strides = array<i32>} : memref<3x128x32xf32, #tpu.memory_space<vmem>>, vector<1x1x16xf32>,
        %get3A_267 = vector.shape_cast %get3A_266 : vector<1x1x16xf32> to vector<16xf32>
        %get3A_268 = arith.index_cast %rem3A_135 : i32 to index
        %get3A_269 = arith.index_cast %add3A_241 : i32 to index
        %get3A_270 = arith.constant 16 : index
        %get3A_271 = tpu.vector_load %arg12[%get3A_268, %get3A_269, %get3A_270] {strides = array<i32>} : memref<3x128x32xf32, #tpu.memory_space<vmem>>, vector<1x1x16xf32>,
        %get3A_272 = vector.shape_cast %get3A_271 : vector<1x1x16xf32> to vector<16xf32>
        %sub3A_273 = arith.subf %get3A_267, %get3A_272 : vector<16xf32>
        %mul3A_274 = vector.broadcast %squeeze3A_243 : f32 to vector<16xf32>
        %mul3A_275 = arith.mulf %mul3A_274, %sub3A_273 : vector<16xf32>
        %swap3A_276 = arith.index_cast %rem3A_135 : i32 to index
        %swap3A_277 = arith.index_cast %add3A_241 : i32 to index
        %swap3A_278 = arith.constant 16 : index
        %swap3A_279 = tpu.vector_load %arg13[%swap3A_276, %swap3A_277, %swap3A_278] {strides = array<i32>} : memref<3x128x32xf32, #tpu.memory_space<vmem>>, vector<1x1x16xf32>,
        %swap3A_280 = vector.shape_cast %swap3A_279 : vector<1x1x16xf32> to vector<16xf32>
        %swap3A_281 = vector.shape_cast %mul3A_275 : vector<16xf32> to vector<1x1x16xf32>
        tpu.vector_store %arg13[%swap3A_276, %swap3A_277, %swap3A_278], %swap3A_281 {strides = array<i32>} : memref<3x128x32xf32, #tpu.memory_space<vmem>>, vector<1x1x16xf32>,
        %mul3A_282 = arith.constant 16 : i32
        %mul3A_283 = arith.muli %scan3A_190, %mul3A_282 : i32
        %add3A_284 = arith.constant 2 : i32
        %add3A_285 = arith.addi %mul3A_283, %add3A_284 : i32
        %slice3A_286 = vector.extract_strided_slice %get3A_197 {offsets = [2], sizes = [1], strides = [1]} : vector<16xf32> to vector<1xf32>
        %squeeze3A_287 = vector.extract %slice3A_286[0] : f32 from vector<1xf32>
        %get3A_288 = arith.index_cast %rem3A_135 : i32 to index
        %get3A_289 = arith.index_cast %add3A_285 : i32 to index
        %get3A_290 = arith.constant 0 : index
        %get3A_291 = tpu.vector_load %arg11[%get3A_288, %get3A_289, %get3A_290] {strides = array<i32>} : memref<3x128x32xf32, #tpu.memory_space<vmem>>, vector<1x1x16xf32>,
        %get3A_292 = vector.shape_cast %get3A_291 : vector<1x1x16xf32> to vector<16xf32>
        %get3A_293 = arith.index_cast %rem3A_135 : i32 to index
        %get3A_294 = arith.index_cast %add3A_285 : i32 to index
        %get3A_295 = arith.constant 0 : index
        %get3A_296 = tpu.vector_load %arg12[%get3A_293, %get3A_294, %get3A_295] {strides = array<i32>} : memref<3x128x32xf32, #tpu.memory_space<vmem>>, vector<1x1x16xf32>,
        %get3A_297 = vector.shape_cast %get3A_296 : vector<1x1x16xf32> to vector<16xf32>
        %sub3A_298 = arith.subf %get3A_292, %get3A_297 : vector<16xf32>
        %mul3A_299 = vector.broadcast %squeeze3A_287 : f32 to vector<16xf32>
        %mul3A_300 = arith.mulf %mul3A_299, %sub3A_298 : vector<16xf32>
        %swap3A_301 = arith.index_cast %rem3A_135 : i32 to index
        %swap3A_302 = arith.index_cast %add3A_285 : i32 to index
        %swap3A_303 = arith.constant 0 : index
        %swap3A_304 = tpu.vector_load %arg13[%swap3A_301, %swap3A_302, %swap3A_303] {strides = array<i32>} : memref<3x128x32xf32, #tpu.memory_space<vmem>>, vector<1x1x16xf32>,
        %swap3A_305 = vector.shape_cast %swap3A_304 : vector<1x1x16xf32> to vector<16xf32>
        %swap3A_306 = vector.shape_cast %mul3A_300 : vector<16xf32> to vector<1x1x16xf32>
        tpu.vector_store %arg13[%swap3A_301, %swap3A_302, %swap3A_303], %swap3A_306 {strides = array<i32>} : memref<3x128x32xf32, #tpu.memory_space<vmem>>, vector<1x1x16xf32>,
        %get3A_307 = arith.index_cast %rem3A_135 : i32 to index
        %get3A_308 = arith.index_cast %add3A_285 : i32 to index
        %get3A_309 = arith.constant 16 : index
        %get3A_310 = tpu.vector_load %arg11[%get3A_307, %get3A_308, %get3A_309] {strides = array<i32>} : memref<3x128x32xf32, #tpu.memory_space<vmem>>, vector<1x1x16xf32>,
        %get3A_311 = vector.shape_cast %get3A_310 : vector<1x1x16xf32> to vector<16xf32>
        %get3A_312 = arith.index_cast %rem3A_135 : i32 to index
        %get3A_313 = arith.index_cast %add3A_285 : i32 to index
        %get3A_314 = arith.constant 16 : index
        %get3A_315 = tpu.vector_load %arg12[%get3A_312, %get3A_313, %get3A_314] {strides = array<i32>} : memref<3x128x32xf32, #tpu.memory_space<vmem>>, vector<1x1x16xf32>,
        %get3A_316 = vector.shape_cast %get3A_315 : vector<1x1x16xf32> to vector<16xf32>
        %sub3A_317 = arith.subf %get3A_311, %get3A_316 : vector<16xf32>
        %mul3A_318 = vector.broadcast %squeeze3A_287 : f32 to vector<16xf32>
        %mul3A_319 = arith.mulf %mul3A_318, %sub3A_317 : vector<16xf32>
        %swap3A_320 = arith.index_cast %rem3A_135 : i32 to index
        %swap3A_321 = arith.index_cast %add3A_285 : i32 to index
        %swap3A_322 = arith.constant 16 : index
        %swap3A_323 = tpu.vector_load %arg13[%swap3A_320, %swap3A_321, %swap3A_322] {strides = array<i32>} : memref<3x128x32xf32, #tpu.memory_space<vmem>>, vector<1x1x16xf32>,
        %swap3A_324 = vector.shape_cast %swap3A_323 : vector<1x1x16xf32> to vector<16xf32>
        %swap3A_325 = vector.shape_cast %mul3A_319 : vector<16xf32> to vector<1x1x16xf32>
        tpu.vector_store %arg13[%swap3A_320, %swap3A_321, %swap3A_322], %swap3A_325 {strides = array<i32>} : memref<3x128x32xf32, #tpu.memory_space<vmem>>, vector<1x1x16xf32>,
        %mul3A_326 = arith.constant 16 : i32
        %mul3A_327 = arith.muli %scan3A_190, %mul3A_326 : i32
        %add3A_328 = arith.constant 3 : i32
        %add3A_329 = arith.addi %mul3A_327, %add3A_328 : i32
        %slice3A_330 = vector.extract_strided_slice %get3A_197 {offsets = [3], sizes = [1], strides = [1]} : vector<16xf32> to vector<1xf32>
        %squeeze3A_331 = vector.extract %slice3A_330[0] : f32 from vector<1xf32>
        %get3A_332 = arith.index_cast %rem3A_135 : i32 to index
        %get3A_333 = arith.index_cast %add3A_329 : i32 to index
        %get3A_334 = arith.constant 0 : index
        %get3A_335 = tpu.vector_load %arg11[%get3A_332, %get3A_333, %get3A_334] {strides = array<i32>} : memref<3x128x32xf32, #tpu.memory_space<vmem>>, vector<1x1x16xf32>,
        %get3A_336 = vector.shape_cast %get3A_335 : vector<1x1x16xf32> to vector<16xf32>
        %get3A_337 = arith.index_cast %rem3A_135 : i32 to index
        %get3A_338 = arith.index_cast %add3A_329 : i32 to index
        %get3A_339 = arith.constant 0 : index
        %get3A_340 = tpu.vector_load %arg12[%get3A_337, %get3A_338, %get3A_339] {strides = array<i32>} : memref<3x128x32xf32, #tpu.memory_space<vmem>>, vector<1x1x16xf32>,
        %get3A_341 = vector.shape_cast %get3A_340 : vector<1x1x16xf32> to vector<16xf32>
        %sub3A_342 = arith.subf %get3A_336, %get3A_341 : vector<16xf32>
        %mul3A_343 = vector.broadcast %squeeze3A_331 : f32 to vector<16xf32>
        %mul3A_344 = arith.mulf %mul3A_343, %sub3A_342 : vector<16xf32>
        %swap3A_345 = arith.index_cast %rem3A_135 : i32 to index
        %swap3A_346 = arith.index_cast %add3A_329 : i32 to index
        %swap3A_347 = arith.constant 0 : index
        %swap3A_348 = tpu.vector_load %arg13[%swap3A_345, %swap3A_346, %swap3A_347] {strides = array<i32>} : memref<3x128x32xf32, #tpu.memory_space<vmem>>, vector<1x1x16xf32>,
        %swap3A_349 = vector.shape_cast %swap3A_348 : vector<1x1x16xf32> to vector<16xf32>
        %swap3A_350 = vector.shape_cast %mul3A_344 : vector<16xf32> to vector<1x1x16xf32>
        tpu.vector_store %arg13[%swap3A_345, %swap3A_346, %swap3A_347], %swap3A_350 {strides = array<i32>} : memref<3x128x32xf32, #tpu.memory_space<vmem>>, vector<1x1x16xf32>,
        %get3A_351 = arith.index_cast %rem3A_135 : i32 to index
        %get3A_352 = arith.index_cast %add3A_329 : i32 to index
        %get3A_353 = arith.constant 16 : index
        %get3A_354 = tpu.vector_load %arg11[%get3A_351, %get3A_352, %get3A_353] {strides = array<i32>} : memref<3x128x32xf32, #tpu.memory_space<vmem>>, vector<1x1x16xf32>,
        %get3A_355 = vector.shape_cast %get3A_354 : vector<1x1x16xf32> to vector<16xf32>
        %get3A_356 = arith.index_cast %rem3A_135 : i32 to index
        %get3A_357 = arith.index_cast %add3A_329 : i32 to index
        %get3A_358 = arith.constant 16 : index
        %get3A_359 = tpu.vector_load %arg12[%get3A_356, %get3A_357, %get3A_358] {strides = array<i32>} : memref<3x128x32xf32, #tpu.memory_space<vmem>>, vector<1x1x16xf32>,
        %get3A_360 = vector.shape_cast %get3A_359 : vector<1x1x16xf32> to vector<16xf32>
        %sub3A_361 = arith.subf %get3A_355, %get3A_360 : vector<16xf32>
        %mul3A_362 = vector.broadcast %squeeze3A_331 : f32 to vector<16xf32>
        %mul3A_363 = arith.mulf %mul3A_362, %sub3A_361 : vector<16xf32>
        %swap3A_364 = arith.index_cast %rem3A_135 : i32 to index
        %swap3A_365 = arith.index_cast %add3A_329 : i32 to index
        %swap3A_366 = arith.constant 16 : index
        %swap3A_367 = tpu.vector_load %arg13[%swap3A_364, %swap3A_365, %swap3A_366] {strides = array<i32>} : memref<3x128x32xf32, #tpu.memory_space<vmem>>, vector<1x1x16xf32>,
        %swap3A_368 = vector.shape_cast %swap3A_367 : vector<1x1x16xf32> to vector<16xf32>
        %swap3A_369 = vector.shape_cast %mul3A_363 : vector<16xf32> to vector<1x1x16xf32>
        tpu.vector_store %arg13[%swap3A_364, %swap3A_365, %swap3A_366], %swap3A_369 {strides = array<i32>} : memref<3x128x32xf32, #tpu.memory_space<vmem>>, vector<1x1x16xf32>,
        %mul3A_370 = arith.constant 16 : i32
        %mul3A_371 = arith.muli %scan3A_190, %mul3A_370 : i32
        %add3A_372 = arith.constant 4 : i32
        %add3A_373 = arith.addi %mul3A_371, %add3A_372 : i32
        %slice3A_374 = vector.extract_strided_slice %get3A_197 {offsets = [4], sizes = [1], strides = [1]} : vector<16xf32> to vector<1xf32>
        %squeeze3A_375 = vector.extract %slice3A_374[0] : f32 from vector<1xf32>
        %get3A_376 = arith.index_cast %rem3A_135 : i32 to index
        %get3A_377 = arith.index_cast %add3A_373 : i32 to index
        %get3A_378 = arith.constant 0 : index
        %get3A_379 = tpu.vector_load %arg11[%get3A_376, %get3A_377, %get3A_378] {strides = array<i32>} : memref<3x128x32xf32, #tpu.memory_space<vmem>>, vector<1x1x16xf32>,
        %get3A_380 = vector.shape_cast %get3A_379 : vector<1x1x16xf32> to vector<16xf32>
        %get3A_381 = arith.index_cast %rem3A_135 : i32 to index
        %get3A_382 = arith.index_cast %add3A_373 : i32 to index
        %get3A_383 = arith.constant 0 : index
        %get3A_384 = tpu.vector_load %arg12[%get3A_381, %get3A_382, %get3A_383] {strides = array<i32>} : memref<3x128x32xf32, #tpu.memory_space<vmem>>, vector<1x1x16xf32>,
        %get3A_385 = vector.shape_cast %get3A_384 : vector<1x1x16xf32> to vector<16xf32>
        %sub3A_386 = arith.subf %get3A_380, %get3A_385 : vector<16xf32>
        %mul3A_387 = vector.broadcast %squeeze3A_375 : f32 to vector<16xf32>
        %mul3A_388 = arith.mulf %mul3A_387, %sub3A_386 : vector<16xf32>
        %swap3A_389 = arith.index_cast %rem3A_135 : i32 to index
        %swap3A_390 = arith.index_cast %add3A_373 : i32 to index
        %swap3A_391 = arith.constant 0 : index
        %swap3A_392 = tpu.vector_load %arg13[%swap3A_389, %swap3A_390, %swap3A_391] {strides = array<i32>} : memref<3x128x32xf32, #tpu.memory_space<vmem>>, vector<1x1x16xf32>,
        %swap3A_393 = vector.shape_cast %swap3A_392 : vector<1x1x16xf32> to vector<16xf32>
        %swap3A_394 = vector.shape_cast %mul3A_388 : vector<16xf32> to vector<1x1x16xf32>
        tpu.vector_store %arg13[%swap3A_389, %swap3A_390, %swap3A_391], %swap3A_394 {strides = array<i32>} : memref<3x128x32xf32, #tpu.memory_space<vmem>>, vector<1x1x16xf32>,
        %get3A_395 = arith.index_cast %rem3A_135 : i32 to index
        %get3A_396 = arith.index_cast %add3A_373 : i32 to index
        %get3A_397 = arith.constant 16 : index
        %get3A_398 = tpu.vector_load %arg11[%get3A_395, %get3A_396, %get3A_397] {strides = array<i32>} : memref<3x128x32xf32, #tpu.memory_space<vmem>>, vector<1x1x16xf32>,
        %get3A_399 = vector.shape_cast %get3A_398 : vector<1x1x16xf32> to vector<16xf32>
        %get3A_400 = arith.index_cast %rem3A_135 : i32 to index
        %get3A_401 = arith.index_cast %add3A_373 : i32 to index
        %get3A_402 = arith.constant 16 : index
        %get3A_403 = tpu.vector_load %arg12[%get3A_400, %get3A_401, %get3A_402] {strides = array<i32>} : memref<3x128x32xf32, #tpu.memory_space<vmem>>, vector<1x1x16xf32>,
        %get3A_404 = vector.shape_cast %get3A_403 : vector<1x1x16xf32> to vector<16xf32>
        %sub3A_405 = arith.subf %get3A_399, %get3A_404 : vector<16xf32>
        %mul3A_406 = vector.broadcast %squeeze3A_375 : f32 to vector<16xf32>
        %mul3A_407 = arith.mulf %mul3A_406, %sub3A_405 : vector<16xf32>
        %swap3A_408 = arith.index_cast %rem3A_135 : i32 to index
        %swap3A_409 = arith.index_cast %add3A_373 : i32 to index
        %swap3A_410 = arith.constant 16 : index
        %swap3A_411 = tpu.vector_load %arg13[%swap3A_408, %swap3A_409, %swap3A_410] {strides = array<i32>} : memref<3x128x32xf32, #tpu.memory_space<vmem>>, vector<1x1x16xf32>,
        %swap3A_412 = vector.shape_cast %swap3A_411 : vector<1x1x16xf32> to vector<16xf32>
        %swap3A_413 = vector.shape_cast %mul3A_407 : vector<16xf32> to vector<1x1x16xf32>
        tpu.vector_store %arg13[%swap3A_408, %swap3A_409, %swap3A_410], %swap3A_413 {strides = array<i32>} : memref<3x128x32xf32, #tpu.memory_space<vmem>>, vector<1x1x16xf32>,
        %mul3A_414 = arith.constant 16 : i32
        %mul3A_415 = arith.muli %scan3A_190, %mul3A_414 : i32
        %add3A_416 = arith.constant 5 : i32
        %add3A_417 = arith.addi %mul3A_415, %add3A_416 : i32
        %slice3A_418 = vector.extract_strided_slice %get3A_197 {offsets = [5], sizes = [1], strides = [1]} : vector<16xf32> to vector<1xf32>
        %squeeze3A_419 = vector.extract %slice3A_418[0] : f32 from vector<1xf32>
        %get3A_420 = arith.index_cast %rem3A_135 : i32 to index
        %get3A_421 = arith.index_cast %add3A_417 : i32 to index
        %get3A_422 = arith.constant 0 : index
        %get3A_423 = tpu.vector_load %arg11[%get3A_420, %get3A_421, %get3A_422] {strides = array<i32>} : memref<3x128x32xf32, #tpu.memory_space<vmem>>, vector<1x1x16xf32>,
        %get3A_424 = vector.shape_cast %get3A_423 : vector<1x1x16xf32> to vector<16xf32>
        %get3A_425 = arith.index_cast %rem3A_135 : i32 to index
        %get3A_426 = arith.index_cast %add3A_417 : i32 to index
        %get3A_427 = arith.constant 0 : index
        %get3A_428 = tpu.vector_load %arg12[%get3A_425, %get3A_426, %get3A_427] {strides = array<i32>} : memref<3x128x32xf32, #tpu.memory_space<vmem>>, vector<1x1x16xf32>,
        %get3A_429 = vector.shape_cast %get3A_428 : vector<1x1x16xf32> to vector<16xf32>
        %sub3A_430 = arith.subf %get3A_424, %get3A_429 : vector<16xf32>
        %mul3A_431 = vector.broadcast %squeeze3A_419 : f32 to vector<16xf32>
        %mul3A_432 = arith.mulf %mul3A_431, %sub3A_430 : vector<16xf32>
        %swap3A_433 = arith.index_cast %rem3A_135 : i32 to index
        %swap3A_434 = arith.index_cast %add3A_417 : i32 to index
        %swap3A_435 = arith.constant 0 : index
        %swap3A_436 = tpu.vector_load %arg13[%swap3A_433, %swap3A_434, %swap3A_435] {strides = array<i32>} : memref<3x128x32xf32, #tpu.memory_space<vmem>>, vector<1x1x16xf32>,
        %swap3A_437 = vector.shape_cast %swap3A_436 : vector<1x1x16xf32> to vector<16xf32>
        %swap3A_438 = vector.shape_cast %mul3A_432 : vector<16xf32> to vector<1x1x16xf32>
        tpu.vector_store %arg13[%swap3A_433, %swap3A_434, %swap3A_435], %swap3A_438 {strides = array<i32>} : memref<3x128x32xf32, #tpu.memory_space<vmem>>, vector<1x1x16xf32>,
        %get3A_439 = arith.index_cast %rem3A_135 : i32 to index
        %get3A_440 = arith.index_cast %add3A_417 : i32 to index
        %get3A_441 = arith.constant 16 : index
        %get3A_442 = tpu.vector_load %arg11[%get3A_439, %get3A_440, %get3A_441] {strides = array<i32>} : memref<3x128x32xf32, #tpu.memory_space<vmem>>, vector<1x1x16xf32>,
        %get3A_443 = vector.shape_cast %get3A_442 : vector<1x1x16xf32> to vector<16xf32>
        %get3A_444 = arith.index_cast %rem3A_135 : i32 to index
        %get3A_445 = arith.index_cast %add3A_417 : i32 to index
        %get3A_446 = arith.constant 16 : index
        %get3A_447 = tpu.vector_load %arg12[%get3A_444, %get3A_445, %get3A_446] {strides = array<i32>} : memref<3x128x32xf32, #tpu.memory_space<vmem>>, vector<1x1x16xf32>,
        %get3A_448 = vector.shape_cast %get3A_447 : vector<1x1x16xf32> to vector<16xf32>
        %sub3A_449 = arith.subf %get3A_443, %get3A_448 : vector<16xf32>
        %mul3A_450 = vector.broadcast %squeeze3A_419 : f32 to vector<16xf32>
        %mul3A_451 = arith.mulf %mul3A_450, %sub3A_449 : vector<16xf32>
        %swap3A_452 = arith.index_cast %rem3A_135 : i32 to index
        %swap3A_453 = arith.index_cast %add3A_417 : i32 to index
        %swap3A_454 = arith.constant 16 : index
        %swap3A_455 = tpu.vector_load %arg13[%swap3A_452, %swap3A_453, %swap3A_454] {strides = array<i32>} : memref<3x128x32xf32, #tpu.memory_space<vmem>>, vector<1x1x16xf32>,
        %swap3A_456 = vector.shape_cast %swap3A_455 : vector<1x1x16xf32> to vector<16xf32>
        %swap3A_457 = vector.shape_cast %mul3A_451 : vector<16xf32> to vector<1x1x16xf32>
        tpu.vector_store %arg13[%swap3A_452, %swap3A_453, %swap3A_454], %swap3A_457 {strides = array<i32>} : memref<3x128x32xf32, #tpu.memory_space<vmem>>, vector<1x1x16xf32>,
        %mul3A_458 = arith.constant 16 : i32
        %mul3A_459 = arith.muli %scan3A_190, %mul3A_458 : i32
        %add3A_460 = arith.constant 6 : i32
        %add3A_461 = arith.addi %mul3A_459, %add3A_460 : i32
        %slice3A_462 = vector.extract_strided_slice %get3A_197 {offsets = [6], sizes = [1], strides = [1]} : vector<16xf32> to vector<1xf32>
        %squeeze3A_463 = vector.extract %slice3A_462[0] : f32 from vector<1xf32>
        %get3A_464 = arith.index_cast %rem3A_135 : i32 to index
        %get3A_465 = arith.index_cast %add3A_461 : i32 to index
        %get3A_466 = arith.constant 0 : index
        %get3A_467 = tpu.vector_load %arg11[%get3A_464, %get3A_465, %get3A_466] {strides = array<i32>} : memref<3x128x32xf32, #tpu.memory_space<vmem>>, vector<1x1x16xf32>,
        %get3A_468 = vector.shape_cast %get3A_467 : vector<1x1x16xf32> to vector<16xf32>
        %get3A_469 = arith.index_cast %rem3A_135 : i32 to index
        %get3A_470 = arith.index_cast %add3A_461 : i32 to index
        %get3A_471 = arith.constant 0 : index
        %get3A_472 = tpu.vector_load %arg12[%get3A_469, %get3A_470, %get3A_471] {strides = array<i32>} : memref<3x128x32xf32, #tpu.memory_space<vmem>>, vector<1x1x16xf32>,
        %get3A_473 = vector.shape_cast %get3A_472 : vector<1x1x16xf32> to vector<16xf32>
        %sub3A_474 = arith.subf %get3A_468, %get3A_473 : vector<16xf32>
        %mul3A_475 = vector.broadcast %squeeze3A_463 : f32 to vector<16xf32>
        %mul3A_476 = arith.mulf %mul3A_475, %sub3A_474 : vector<16xf32>
        %swap3A_477 = arith.index_cast %rem3A_135 : i32 to index
        %swap3A_478 = arith.index_cast %add3A_461 : i32 to index
        %swap3A_479 = arith.constant 0 : index
        %swap3A_480 = tpu.vector_load %arg13[%swap3A_477, %swap3A_478, %swap3A_479] {strides = array<i32>} : memref<3x128x32xf32, #tpu.memory_space<vmem>>, vector<1x1x16xf32>,
        %swap3A_481 = vector.shape_cast %swap3A_480 : vector<1x1x16xf32> to vector<16xf32>
        %swap3A_482 = vector.shape_cast %mul3A_476 : vector<16xf32> to vector<1x1x16xf32>
        tpu.vector_store %arg13[%swap3A_477, %swap3A_478, %swap3A_479], %swap3A_482 {strides = array<i32>} : memref<3x128x32xf32, #tpu.memory_space<vmem>>, vector<1x1x16xf32>,
        %get3A_483 = arith.index_cast %rem3A_135 : i32 to index
        %get3A_484 = arith.index_cast %add3A_461 : i32 to index
        %get3A_485 = arith.constant 16 : index
        %get3A_486 = tpu.vector_load %arg11[%get3A_483, %get3A_484, %get3A_485] {strides = array<i32>} : memref<3x128x32xf32, #tpu.memory_space<vmem>>, vector<1x1x16xf32>,
        %get3A_487 = vector.shape_cast %get3A_486 : vector<1x1x16xf32> to vector<16xf32>
        %get3A_488 = arith.index_cast %rem3A_135 : i32 to index
        %get3A_489 = arith.index_cast %add3A_461 : i32 to index
        %get3A_490 = arith.constant 16 : index
        %get3A_491 = tpu.vector_load %arg12[%get3A_488, %get3A_489, %get3A_490] {strides = array<i32>} : memref<3x128x32xf32, #tpu.memory_space<vmem>>, vector<1x1x16xf32>,
        %get3A_492 = vector.shape_cast %get3A_491 : vector<1x1x16xf32> to vector<16xf32>
        %sub3A_493 = arith.subf %get3A_487, %get3A_492 : vector<16xf32>
        %mul3A_494 = vector.broadcast %squeeze3A_463 : f32 to vector<16xf32>
        %mul3A_495 = arith.mulf %mul3A_494, %sub3A_493 : vector<16xf32>
        %swap3A_496 = arith.index_cast %rem3A_135 : i32 to index
        %swap3A_497 = arith.index_cast %add3A_461 : i32 to index
        %swap3A_498 = arith.constant 16 : index
        %swap3A_499 = tpu.vector_load %arg13[%swap3A_496, %swap3A_497, %swap3A_498] {strides = array<i32>} : memref<3x128x32xf32, #tpu.memory_space<vmem>>, vector<1x1x16xf32>,
        %swap3A_500 = vector.shape_cast %swap3A_499 : vector<1x1x16xf32> to vector<16xf32>
        %swap3A_501 = vector.shape_cast %mul3A_495 : vector<16xf32> to vector<1x1x16xf32>
        tpu.vector_store %arg13[%swap3A_496, %swap3A_497, %swap3A_498], %swap3A_501 {strides = array<i32>} : memref<3x128x32xf32, #tpu.memory_space<vmem>>, vector<1x1x16xf32>,
        %mul3A_502 = arith.constant 16 : i32
        %mul3A_503 = arith.muli %scan3A_190, %mul3A_502 : i32
        %add3A_504 = arith.constant 7 : i32
        %add3A_505 = arith.addi %mul3A_503, %add3A_504 : i32
        %slice3A_506 = vector.extract_strided_slice %get3A_197 {offsets = [7], sizes = [1], strides = [1]} : vector<16xf32> to vector<1xf32>
        %squeeze3A_507 = vector.extract %slice3A_506[0] : f32 from vector<1xf32>
        %get3A_508 = arith.index_cast %rem3A_135 : i32 to index
        %get3A_509 = arith.index_cast %add3A_505 : i32 to index
        %get3A_510 = arith.constant 0 : index
        %get3A_511 = tpu.vector_load %arg11[%get3A_508, %get3A_509, %get3A_510] {strides = array<i32>} : memref<3x128x32xf32, #tpu.memory_space<vmem>>, vector<1x1x16xf32>,
        %get3A_512 = vector.shape_cast %get3A_511 : vector<1x1x16xf32> to vector<16xf32>
        %get3A_513 = arith.index_cast %rem3A_135 : i32 to index
        %get3A_514 = arith.index_cast %add3A_505 : i32 to index
        %get3A_515 = arith.constant 0 : index
        %get3A_516 = tpu.vector_load %arg12[%get3A_513, %get3A_514, %get3A_515] {strides = array<i32>} : memref<3x128x32xf32, #tpu.memory_space<vmem>>, vector<1x1x16xf32>,
        %get3A_517 = vector.shape_cast %get3A_516 : vector<1x1x16xf32> to vector<16xf32>
        %sub3A_518 = arith.subf %get3A_512, %get3A_517 : vector<16xf32>
        %mul3A_519 = vector.broadcast %squeeze3A_507 : f32 to vector<16xf32>
        %mul3A_520 = arith.mulf %mul3A_519, %sub3A_518 : vector<16xf32>
        %swap3A_521 = arith.index_cast %rem3A_135 : i32 to index
        %swap3A_522 = arith.index_cast %add3A_505 : i32 to index
        %swap3A_523 = arith.constant 0 : index
        %swap3A_524 = tpu.vector_load %arg13[%swap3A_521, %swap3A_522, %swap3A_523] {strides = array<i32>} : memref<3x128x32xf32, #tpu.memory_space<vmem>>, vector<1x1x16xf32>,
        %swap3A_525 = vector.shape_cast %swap3A_524 : vector<1x1x16xf32> to vector<16xf32>
        %swap3A_526 = vector.shape_cast %mul3A_520 : vector<16xf32> to vector<1x1x16xf32>
        tpu.vector_store %arg13[%swap3A_521, %swap3A_522, %swap3A_523], %swap3A_526 {strides = array<i32>} : memref<3x128x32xf32, #tpu.memory_space<vmem>>, vector<1x1x16xf32>,
        %get3A_527 = arith.index_cast %rem3A_135 : i32 to index
        %get3A_528 = arith.index_cast %add3A_505 : i32 to index
        %get3A_529 = arith.constant 16 : index
        %get3A_530 = tpu.vector_load %arg11[%get3A_527, %get3A_528, %get3A_529] {strides = array<i32>} : memref<3x128x32xf32, #tpu.memory_space<vmem>>, vector<1x1x16xf32>,
        %get3A_531 = vector.shape_cast %get3A_530 : vector<1x1x16xf32> to vector<16xf32>
        %get3A_532 = arith.index_cast %rem3A_135 : i32 to index
        %get3A_533 = arith.index_cast %add3A_505 : i32 to index
        %get3A_534 = arith.constant 16 : index
        %get3A_535 = tpu.vector_load %arg12[%get3A_532, %get3A_533, %get3A_534] {strides = array<i32>} : memref<3x128x32xf32, #tpu.memory_space<vmem>>, vector<1x1x16xf32>,
        %get3A_536 = vector.shape_cast %get3A_535 : vector<1x1x16xf32> to vector<16xf32>
        %sub3A_537 = arith.subf %get3A_531, %get3A_536 : vector<16xf32>
        %mul3A_538 = vector.broadcast %squeeze3A_507 : f32 to vector<16xf32>
        %mul3A_539 = arith.mulf %mul3A_538, %sub3A_537 : vector<16xf32>
        %swap3A_540 = arith.index_cast %rem3A_135 : i32 to index
        %swap3A_541 = arith.index_cast %add3A_505 : i32 to index
        %swap3A_542 = arith.constant 16 : index
        %swap3A_543 = tpu.vector_load %arg13[%swap3A_540, %swap3A_541, %swap3A_542] {strides = array<i32>} : memref<3x128x32xf32, #tpu.memory_space<vmem>>, vector<1x1x16xf32>,
        %swap3A_544 = vector.shape_cast %swap3A_543 : vector<1x1x16xf32> to vector<16xf32>
        %swap3A_545 = vector.shape_cast %mul3A_539 : vector<16xf32> to vector<1x1x16xf32>
        tpu.vector_store %arg13[%swap3A_540, %swap3A_541, %swap3A_542], %swap3A_545 {strides = array<i32>} : memref<3x128x32xf32, #tpu.memory_space<vmem>>, vector<1x1x16xf32>,
        %mul3A_546 = arith.constant 16 : i32
        %mul3A_547 = arith.muli %scan3A_190, %mul3A_546 : i32
        %add3A_548 = arith.constant 8 : i32
        %add3A_549 = arith.addi %mul3A_547, %add3A_548 : i32
        %slice3A_550 = vector.extract_strided_slice %get3A_197 {offsets = [8], sizes = [1], strides = [1]} : vector<16xf32> to vector<1xf32>
        %squeeze3A_551 = vector.extract %slice3A_550[0] : f32 from vector<1xf32>
        %get3A_552 = arith.index_cast %rem3A_135 : i32 to index
        %get3A_553 = arith.index_cast %add3A_549 : i32 to index
        %get3A_554 = arith.constant 0 : index
        %get3A_555 = tpu.vector_load %arg11[%get3A_552, %get3A_553, %get3A_554] {strides = array<i32>} : memref<3x128x32xf32, #tpu.memory_space<vmem>>, vector<1x1x16xf32>,
        %get3A_556 = vector.shape_cast %get3A_555 : vector<1x1x16xf32> to vector<16xf32>
        %get3A_557 = arith.index_cast %rem3A_135 : i32 to index
        %get3A_558 = arith.index_cast %add3A_549 : i32 to index
        %get3A_559 = arith.constant 0 : index
        %get3A_560 = tpu.vector_load %arg12[%get3A_557, %get3A_558, %get3A_559] {strides = array<i32>} : memref<3x128x32xf32, #tpu.memory_space<vmem>>, vector<1x1x16xf32>,
        %get3A_561 = vector.shape_cast %get3A_560 : vector<1x1x16xf32> to vector<16xf32>
        %sub3A_562 = arith.subf %get3A_556, %get3A_561 : vector<16xf32>
        %mul3A_563 = vector.broadcast %squeeze3A_551 : f32 to vector<16xf32>
        %mul3A_564 = arith.mulf %mul3A_563, %sub3A_562 : vector<16xf32>
        %swap3A_565 = arith.index_cast %rem3A_135 : i32 to index
        %swap3A_566 = arith.index_cast %add3A_549 : i32 to index
        %swap3A_567 = arith.constant 0 : index
        %swap3A_568 = tpu.vector_load %arg13[%swap3A_565, %swap3A_566, %swap3A_567] {strides = array<i32>} : memref<3x128x32xf32, #tpu.memory_space<vmem>>, vector<1x1x16xf32>,
        %swap3A_569 = vector.shape_cast %swap3A_568 : vector<1x1x16xf32> to vector<16xf32>
        %swap3A_570 = vector.shape_cast %mul3A_564 : vector<16xf32> to vector<1x1x16xf32>
        tpu.vector_store %arg13[%swap3A_565, %swap3A_566, %swap3A_567], %swap3A_570 {strides = array<i32>} : memref<3x128x32xf32, #tpu.memory_space<vmem>>, vector<1x1x16xf32>,
        %get3A_571 = arith.index_cast %rem3A_135 : i32 to index
        %get3A_572 = arith.index_cast %add3A_549 : i32 to index
        %get3A_573 = arith.constant 16 : index
        %get3A_574 = tpu.vector_load %arg11[%get3A_571, %get3A_572, %get3A_573] {strides = array<i32>} : memref<3x128x32xf32, #tpu.memory_space<vmem>>, vector<1x1x16xf32>,
        %get3A_575 = vector.shape_cast %get3A_574 : vector<1x1x16xf32> to vector<16xf32>
        %get3A_576 = arith.index_cast %rem3A_135 : i32 to index
        %get3A_577 = arith.index_cast %add3A_549 : i32 to index
        %get3A_578 = arith.constant 16 : index
        %get3A_579 = tpu.vector_load %arg12[%get3A_576, %get3A_577, %get3A_578] {strides = array<i32>} : memref<3x128x32xf32, #tpu.memory_space<vmem>>, vector<1x1x16xf32>,
        %get3A_580 = vector.shape_cast %get3A_579 : vector<1x1x16xf32> to vector<16xf32>
        %sub3A_581 = arith.subf %get3A_575, %get3A_580 : vector<16xf32>
        %mul3A_582 = vector.broadcast %squeeze3A_551 : f32 to vector<16xf32>
        %mul3A_583 = arith.mulf %mul3A_582, %sub3A_581 : vector<16xf32>
        %swap3A_584 = arith.index_cast %rem3A_135 : i32 to index
        %swap3A_585 = arith.index_cast %add3A_549 : i32 to index
        %swap3A_586 = arith.constant 16 : index
        %swap3A_587 = tpu.vector_load %arg13[%swap3A_584, %swap3A_585, %swap3A_586] {strides = array<i32>} : memref<3x128x32xf32, #tpu.memory_space<vmem>>, vector<1x1x16xf32>,
        %swap3A_588 = vector.shape_cast %swap3A_587 : vector<1x1x16xf32> to vector<16xf32>
        %swap3A_589 = vector.shape_cast %mul3A_583 : vector<16xf32> to vector<1x1x16xf32>
        tpu.vector_store %arg13[%swap3A_584, %swap3A_585, %swap3A_586], %swap3A_589 {strides = array<i32>} : memref<3x128x32xf32, #tpu.memory_space<vmem>>, vector<1x1x16xf32>,
        %mul3A_590 = arith.constant 16 : i32
        %mul3A_591 = arith.muli %scan3A_190, %mul3A_590 : i32
        %add3A_592 = arith.constant 9 : i32
        %add3A_593 = arith.addi %mul3A_591, %add3A_592 : i32
        %slice3A_594 = vector.extract_strided_slice %get3A_197 {offsets = [9], sizes = [1], strides = [1]} : vector<16xf32> to vector<1xf32>
        %squeeze3A_595 = vector.extract %slice3A_594[0] : f32 from vector<1xf32>
        %get3A_596 = arith.index_cast %rem3A_135 : i32 to index
        %get3A_597 = arith.index_cast %add3A_593 : i32 to index
        %get3A_598 = arith.constant 0 : index
        %get3A_599 = tpu.vector_load %arg11[%get3A_596, %get3A_597, %get3A_598] {strides = array<i32>} : memref<3x128x32xf32, #tpu.memory_space<vmem>>, vector<1x1x16xf32>,
        %get3A_600 = vector.shape_cast %get3A_599 : vector<1x1x16xf32> to vector<16xf32>
        %get3A_601 = arith.index_cast %rem3A_135 : i32 to index
        %get3A_602 = arith.index_cast %add3A_593 : i32 to index
        %get3A_603 = arith.constant 0 : index
        %get3A_604 = tpu.vector_load %arg12[%get3A_601, %get3A_602, %get3A_603] {strides = array<i32>} : memref<3x128x32xf32, #tpu.memory_space<vmem>>, vector<1x1x16xf32>,
        %get3A_605 = vector.shape_cast %get3A_604 : vector<1x1x16xf32> to vector<16xf32>
        %sub3A_606 = arith.subf %get3A_600, %get3A_605 : vector<16xf32>
        %mul3A_607 = vector.broadcast %squeeze3A_595 : f32 to vector<16xf32>
        %mul3A_608 = arith.mulf %mul3A_607, %sub3A_606 : vector<16xf32>
        %swap3A_609 = arith.index_cast %rem3A_135 : i32 to index
        %swap3A_610 = arith.index_cast %add3A_593 : i32 to index
        %swap3A_611 = arith.constant 0 : index
        %swap3A_612 = tpu.vector_load %arg13[%swap3A_609, %swap3A_610, %swap3A_611] {strides = array<i32>} : memref<3x128x32xf32, #tpu.memory_space<vmem>>, vector<1x1x16xf32>,
        %swap3A_613 = vector.shape_cast %swap3A_612 : vector<1x1x16xf32> to vector<16xf32>
        %swap3A_614 = vector.shape_cast %mul3A_608 : vector<16xf32> to vector<1x1x16xf32>
        tpu.vector_store %arg13[%swap3A_609, %swap3A_610, %swap3A_611], %swap3A_614 {strides = array<i32>} : memref<3x128x32xf32, #tpu.memory_space<vmem>>, vector<1x1x16xf32>,
        %get3A_615 = arith.index_cast %rem3A_135 : i32 to index
        %get3A_616 = arith.index_cast %add3A_593 : i32 to index
        %get3A_617 = arith.constant 16 : index
        %get3A_618 = tpu.vector_load %arg11[%get3A_615, %get3A_616, %get3A_617] {strides = array<i32>} : memref<3x128x32xf32, #tpu.memory_space<vmem>>, vector<1x1x16xf32>,
        %get3A_619 = vector.shape_cast %get3A_618 : vector<1x1x16xf32> to vector<16xf32>
        %get3A_620 = arith.index_cast %rem3A_135 : i32 to index
        %get3A_621 = arith.index_cast %add3A_593 : i32 to index
        %get3A_622 = arith.constant 16 : index
        %get3A_623 = tpu.vector_load %arg12[%get3A_620, %get3A_621, %get3A_622] {strides = array<i32>} : memref<3x128x32xf32, #tpu.memory_space<vmem>>, vector<1x1x16xf32>,
        %get3A_624 = vector.shape_cast %get3A_623 : vector<1x1x16xf32> to vector<16xf32>
        %sub3A_625 = arith.subf %get3A_619, %get3A_624 : vector<16xf32>
        %mul3A_626 = vector.broadcast %squeeze3A_595 : f32 to vector<16xf32>
        %mul3A_627 = arith.mulf %mul3A_626, %sub3A_625 : vector<16xf32>
        %swap3A_628 = arith.index_cast %rem3A_135 : i32 to index
        %swap3A_629 = arith.index_cast %add3A_593 : i32 to index
        %swap3A_630 = arith.constant 16 : index
        %swap3A_631 = tpu.vector_load %arg13[%swap3A_628, %swap3A_629, %swap3A_630] {strides = array<i32>} : memref<3x128x32xf32, #tpu.memory_space<vmem>>, vector<1x1x16xf32>,
        %swap3A_632 = vector.shape_cast %swap3A_631 : vector<1x1x16xf32> to vector<16xf32>
        %swap3A_633 = vector.shape_cast %mul3A_627 : vector<16xf32> to vector<1x1x16xf32>
        tpu.vector_store %arg13[%swap3A_628, %swap3A_629, %swap3A_630], %swap3A_633 {strides = array<i32>} : memref<3x128x32xf32, #tpu.memory_space<vmem>>, vector<1x1x16xf32>,
        %mul3A_634 = arith.constant 16 : i32
        %mul3A_635 = arith.muli %scan3A_190, %mul3A_634 : i32
        %add3A_636 = arith.constant 10 : i32
        %add3A_637 = arith.addi %mul3A_635, %add3A_636 : i32
        %slice3A_638 = vector.extract_strided_slice %get3A_197 {offsets = [10], sizes = [1], strides = [1]} : vector<16xf32> to vector<1xf32>
        %squeeze3A_639 = vector.extract %slice3A_638[0] : f32 from vector<1xf32>
        %get3A_640 = arith.index_cast %rem3A_135 : i32 to index
        %get3A_641 = arith.index_cast %add3A_637 : i32 to index
        %get3A_642 = arith.constant 0 : index
        %get3A_643 = tpu.vector_load %arg11[%get3A_640, %get3A_641, %get3A_642] {strides = array<i32>} : memref<3x128x32xf32, #tpu.memory_space<vmem>>, vector<1x1x16xf32>,
        %get3A_644 = vector.shape_cast %get3A_643 : vector<1x1x16xf32> to vector<16xf32>
        %get3A_645 = arith.index_cast %rem3A_135 : i32 to index
        %get3A_646 = arith.index_cast %add3A_637 : i32 to index
        %get3A_647 = arith.constant 0 : index
        %get3A_648 = tpu.vector_load %arg12[%get3A_645, %get3A_646, %get3A_647] {strides = array<i32>} : memref<3x128x32xf32, #tpu.memory_space<vmem>>, vector<1x1x16xf32>,
        %get3A_649 = vector.shape_cast %get3A_648 : vector<1x1x16xf32> to vector<16xf32>
        %sub3A_650 = arith.subf %get3A_644, %get3A_649 : vector<16xf32>
        %mul3A_651 = vector.broadcast %squeeze3A_639 : f32 to vector<16xf32>
        %mul3A_652 = arith.mulf %mul3A_651, %sub3A_650 : vector<16xf32>
        %swap3A_653 = arith.index_cast %rem3A_135 : i32 to index
        %swap3A_654 = arith.index_cast %add3A_637 : i32 to index
        %swap3A_655 = arith.constant 0 : index
        %swap3A_656 = tpu.vector_load %arg13[%swap3A_653, %swap3A_654, %swap3A_655] {strides = array<i32>} : memref<3x128x32xf32, #tpu.memory_space<vmem>>, vector<1x1x16xf32>,
        %swap3A_657 = vector.shape_cast %swap3A_656 : vector<1x1x16xf32> to vector<16xf32>
        %swap3A_658 = vector.shape_cast %mul3A_652 : vector<16xf32> to vector<1x1x16xf32>
        tpu.vector_store %arg13[%swap3A_653, %swap3A_654, %swap3A_655], %swap3A_658 {strides = array<i32>} : memref<3x128x32xf32, #tpu.memory_space<vmem>>, vector<1x1x16xf32>,
        %get3A_659 = arith.index_cast %rem3A_135 : i32 to index
        %get3A_660 = arith.index_cast %add3A_637 : i32 to index
        %get3A_661 = arith.constant 16 : index
        %get3A_662 = tpu.vector_load %arg11[%get3A_659, %get3A_660, %get3A_661] {strides = array<i32>} : memref<3x128x32xf32, #tpu.memory_space<vmem>>, vector<1x1x16xf32>,
        %get3A_663 = vector.shape_cast %get3A_662 : vector<1x1x16xf32> to vector<16xf32>
        %get3A_664 = arith.index_cast %rem3A_135 : i32 to index
        %get3A_665 = arith.index_cast %add3A_637 : i32 to index
        %get3A_666 = arith.constant 16 : index
        %get3A_667 = tpu.vector_load %arg12[%get3A_664, %get3A_665, %get3A_666] {strides = array<i32>} : memref<3x128x32xf32, #tpu.memory_space<vmem>>, vector<1x1x16xf32>,
        %get3A_668 = vector.shape_cast %get3A_667 : vector<1x1x16xf32> to vector<16xf32>
        %sub3A_669 = arith.subf %get3A_663, %get3A_668 : vector<16xf32>
        %mul3A_670 = vector.broadcast %squeeze3A_639 : f32 to vector<16xf32>
        %mul3A_671 = arith.mulf %mul3A_670, %sub3A_669 : vector<16xf32>
        %swap3A_672 = arith.index_cast %rem3A_135 : i32 to index
        %swap3A_673 = arith.index_cast %add3A_637 : i32 to index
        %swap3A_674 = arith.constant 16 : index
        %swap3A_675 = tpu.vector_load %arg13[%swap3A_672, %swap3A_673, %swap3A_674] {strides = array<i32>} : memref<3x128x32xf32, #tpu.memory_space<vmem>>, vector<1x1x16xf32>,
        %swap3A_676 = vector.shape_cast %swap3A_675 : vector<1x1x16xf32> to vector<16xf32>
        %swap3A_677 = vector.shape_cast %mul3A_671 : vector<16xf32> to vector<1x1x16xf32>
        tpu.vector_store %arg13[%swap3A_672, %swap3A_673, %swap3A_674], %swap3A_677 {strides = array<i32>} : memref<3x128x32xf32, #tpu.memory_space<vmem>>, vector<1x1x16xf32>,
        %mul3A_678 = arith.constant 16 : i32
        %mul3A_679 = arith.muli %scan3A_190, %mul3A_678 : i32
        %add3A_680 = arith.constant 11 : i32
        %add3A_681 = arith.addi %mul3A_679, %add3A_680 : i32
        %slice3A_682 = vector.extract_strided_slice %get3A_197 {offsets = [11], sizes = [1], strides = [1]} : vector<16xf32> to vector<1xf32>
        %squeeze3A_683 = vector.extract %slice3A_682[0] : f32 from vector<1xf32>
        %get3A_684 = arith.index_cast %rem3A_135 : i32 to index
        %get3A_685 = arith.index_cast %add3A_681 : i32 to index
        %get3A_686 = arith.constant 0 : index
        %get3A_687 = tpu.vector_load %arg11[%get3A_684, %get3A_685, %get3A_686] {strides = array<i32>} : memref<3x128x32xf32, #tpu.memory_space<vmem>>, vector<1x1x16xf32>,
        %get3A_688 = vector.shape_cast %get3A_687 : vector<1x1x16xf32> to vector<16xf32>
        %get3A_689 = arith.index_cast %rem3A_135 : i32 to index
        %get3A_690 = arith.index_cast %add3A_681 : i32 to index
        %get3A_691 = arith.constant 0 : index
        %get3A_692 = tpu.vector_load %arg12[%get3A_689, %get3A_690, %get3A_691] {strides = array<i32>} : memref<3x128x32xf32, #tpu.memory_space<vmem>>, vector<1x1x16xf32>,
        %get3A_693 = vector.shape_cast %get3A_692 : vector<1x1x16xf32> to vector<16xf32>
        %sub3A_694 = arith.subf %get3A_688, %get3A_693 : vector<16xf32>
        %mul3A_695 = vector.broadcast %squeeze3A_683 : f32 to vector<16xf32>
        %mul3A_696 = arith.mulf %mul3A_695, %sub3A_694 : vector<16xf32>
        %swap3A_697 = arith.index_cast %rem3A_135 : i32 to index
        %swap3A_698 = arith.index_cast %add3A_681 : i32 to index
        %swap3A_699 = arith.constant 0 : index
        %swap3A_700 = tpu.vector_load %arg13[%swap3A_697, %swap3A_698, %swap3A_699] {strides = array<i32>} : memref<3x128x32xf32, #tpu.memory_space<vmem>>, vector<1x1x16xf32>,
        %swap3A_701 = vector.shape_cast %swap3A_700 : vector<1x1x16xf32> to vector<16xf32>
        %swap3A_702 = vector.shape_cast %mul3A_696 : vector<16xf32> to vector<1x1x16xf32>
        tpu.vector_store %arg13[%swap3A_697, %swap3A_698, %swap3A_699], %swap3A_702 {strides = array<i32>} : memref<3x128x32xf32, #tpu.memory_space<vmem>>, vector<1x1x16xf32>,
        %get3A_703 = arith.index_cast %rem3A_135 : i32 to index
        %get3A_704 = arith.index_cast %add3A_681 : i32 to index
        %get3A_705 = arith.constant 16 : index
        %get3A_706 = tpu.vector_load %arg11[%get3A_703, %get3A_704, %get3A_705] {strides = array<i32>} : memref<3x128x32xf32, #tpu.memory_space<vmem>>, vector<1x1x16xf32>,
        %get3A_707 = vector.shape_cast %get3A_706 : vector<1x1x16xf32> to vector<16xf32>
        %get3A_708 = arith.index_cast %rem3A_135 : i32 to index
        %get3A_709 = arith.index_cast %add3A_681 : i32 to index
        %get3A_710 = arith.constant 16 : index
        %get3A_711 = tpu.vector_load %arg12[%get3A_708, %get3A_709, %get3A_710] {strides = array<i32>} : memref<3x128x32xf32, #tpu.memory_space<vmem>>, vector<1x1x16xf32>,
        %get3A_712 = vector.shape_cast %get3A_711 : vector<1x1x16xf32> to vector<16xf32>
        %sub3A_713 = arith.subf %get3A_707, %get3A_712 : vector<16xf32>
        %mul3A_714 = vector.broadcast %squeeze3A_683 : f32 to vector<16xf32>
        %mul3A_715 = arith.mulf %mul3A_714, %sub3A_713 : vector<16xf32>
        %swap3A_716 = arith.index_cast %rem3A_135 : i32 to index
        %swap3A_717 = arith.index_cast %add3A_681 : i32 to index
        %swap3A_718 = arith.constant 16 : index
        %swap3A_719 = tpu.vector_load %arg13[%swap3A_716, %swap3A_717, %swap3A_718] {strides = array<i32>} : memref<3x128x32xf32, #tpu.memory_space<vmem>>, vector<1x1x16xf32>,
        %swap3A_720 = vector.shape_cast %swap3A_719 : vector<1x1x16xf32> to vector<16xf32>
        %swap3A_721 = vector.shape_cast %mul3A_715 : vector<16xf32> to vector<1x1x16xf32>
        tpu.vector_store %arg13[%swap3A_716, %swap3A_717, %swap3A_718], %swap3A_721 {strides = array<i32>} : memref<3x128x32xf32, #tpu.memory_space<vmem>>, vector<1x1x16xf32>,
        %mul3A_722 = arith.constant 16 : i32
        %mul3A_723 = arith.muli %scan3A_190, %mul3A_722 : i32
        %add3A_724 = arith.constant 12 : i32
        %add3A_725 = arith.addi %mul3A_723, %add3A_724 : i32
        %slice3A_726 = vector.extract_strided_slice %get3A_197 {offsets = [12], sizes = [1], strides = [1]} : vector<16xf32> to vector<1xf32>
        %squeeze3A_727 = vector.extract %slice3A_726[0] : f32 from vector<1xf32>
        %get3A_728 = arith.index_cast %rem3A_135 : i32 to index
        %get3A_729 = arith.index_cast %add3A_725 : i32 to index
        %get3A_730 = arith.constant 0 : index
        %get3A_731 = tpu.vector_load %arg11[%get3A_728, %get3A_729, %get3A_730] {strides = array<i32>} : memref<3x128x32xf32, #tpu.memory_space<vmem>>, vector<1x1x16xf32>,
        %get3A_732 = vector.shape_cast %get3A_731 : vector<1x1x16xf32> to vector<16xf32>
        %get3A_733 = arith.index_cast %rem3A_135 : i32 to index
        %get3A_734 = arith.index_cast %add3A_725 : i32 to index
        %get3A_735 = arith.constant 0 : index
        %get3A_736 = tpu.vector_load %arg12[%get3A_733, %get3A_734, %get3A_735] {strides = array<i32>} : memref<3x128x32xf32, #tpu.memory_space<vmem>>, vector<1x1x16xf32>,
        %get3A_737 = vector.shape_cast %get3A_736 : vector<1x1x16xf32> to vector<16xf32>
        %sub3A_738 = arith.subf %get3A_732, %get3A_737 : vector<16xf32>
        %mul3A_739 = vector.broadcast %squeeze3A_727 : f32 to vector<16xf32>
        %mul3A_740 = arith.mulf %mul3A_739, %sub3A_738 : vector<16xf32>
        %swap3A_741 = arith.index_cast %rem3A_135 : i32 to index
        %swap3A_742 = arith.index_cast %add3A_725 : i32 to index
        %swap3A_743 = arith.constant 0 : index
        %swap3A_744 = tpu.vector_load %arg13[%swap3A_741, %swap3A_742, %swap3A_743] {strides = array<i32>} : memref<3x128x32xf32, #tpu.memory_space<vmem>>, vector<1x1x16xf32>,
        %swap3A_745 = vector.shape_cast %swap3A_744 : vector<1x1x16xf32> to vector<16xf32>
        %swap3A_746 = vector.shape_cast %mul3A_740 : vector<16xf32> to vector<1x1x16xf32>
        tpu.vector_store %arg13[%swap3A_741, %swap3A_742, %swap3A_743], %swap3A_746 {strides = array<i32>} : memref<3x128x32xf32, #tpu.memory_space<vmem>>, vector<1x1x16xf32>,
        %get3A_747 = arith.index_cast %rem3A_135 : i32 to index
        %get3A_748 = arith.index_cast %add3A_725 : i32 to index
        %get3A_749 = arith.constant 16 : index
        %get3A_750 = tpu.vector_load %arg11[%get3A_747, %get3A_748, %get3A_749] {strides = array<i32>} : memref<3x128x32xf32, #tpu.memory_space<vmem>>, vector<1x1x16xf32>,
        %get3A_751 = vector.shape_cast %get3A_750 : vector<1x1x16xf32> to vector<16xf32>
        %get3A_752 = arith.index_cast %rem3A_135 : i32 to index
        %get3A_753 = arith.index_cast %add3A_725 : i32 to index
        %get3A_754 = arith.constant 16 : index
        %get3A_755 = tpu.vector_load %arg12[%get3A_752, %get3A_753, %get3A_754] {strides = array<i32>} : memref<3x128x32xf32, #tpu.memory_space<vmem>>, vector<1x1x16xf32>,
        %get3A_756 = vector.shape_cast %get3A_755 : vector<1x1x16xf32> to vector<16xf32>
        %sub3A_757 = arith.subf %get3A_751, %get3A_756 : vector<16xf32>
        %mul3A_758 = vector.broadcast %squeeze3A_727 : f32 to vector<16xf32>
        %mul3A_759 = arith.mulf %mul3A_758, %sub3A_757 : vector<16xf32>
        %swap3A_760 = arith.index_cast %rem3A_135 : i32 to index
        %swap3A_761 = arith.index_cast %add3A_725 : i32 to index
        %swap3A_762 = arith.constant 16 : index
        %swap3A_763 = tpu.vector_load %arg13[%swap3A_760, %swap3A_761, %swap3A_762] {strides = array<i32>} : memref<3x128x32xf32, #tpu.memory_space<vmem>>, vector<1x1x16xf32>,
        %swap3A_764 = vector.shape_cast %swap3A_763 : vector<1x1x16xf32> to vector<16xf32>
        %swap3A_765 = vector.shape_cast %mul3A_759 : vector<16xf32> to vector<1x1x16xf32>
        tpu.vector_store %arg13[%swap3A_760, %swap3A_761, %swap3A_762], %swap3A_765 {strides = array<i32>} : memref<3x128x32xf32, #tpu.memory_space<vmem>>, vector<1x1x16xf32>,
        %mul3A_766 = arith.constant 16 : i32
        %mul3A_767 = arith.muli %scan3A_190, %mul3A_766 : i32
        %add3A_768 = arith.constant 13 : i32
        %add3A_769 = arith.addi %mul3A_767, %add3A_768 : i32
        %slice3A_770 = vector.extract_strided_slice %get3A_197 {offsets = [13], sizes = [1], strides = [1]} : vector<16xf32> to vector<1xf32>
        %squeeze3A_771 = vector.extract %slice3A_770[0] : f32 from vector<1xf32>
        %get3A_772 = arith.index_cast %rem3A_135 : i32 to index
        %get3A_773 = arith.index_cast %add3A_769 : i32 to index
        %get3A_774 = arith.constant 0 : index
        %get3A_775 = tpu.vector_load %arg11[%get3A_772, %get3A_773, %get3A_774] {strides = array<i32>} : memref<3x128x32xf32, #tpu.memory_space<vmem>>, vector<1x1x16xf32>,
        %get3A_776 = vector.shape_cast %get3A_775 : vector<1x1x16xf32> to vector<16xf32>
        %get3A_777 = arith.index_cast %rem3A_135 : i32 to index
        %get3A_778 = arith.index_cast %add3A_769 : i32 to index
        %get3A_779 = arith.constant 0 : index
        %get3A_780 = tpu.vector_load %arg12[%get3A_777, %get3A_778, %get3A_779] {strides = array<i32>} : memref<3x128x32xf32, #tpu.memory_space<vmem>>, vector<1x1x16xf32>,
        %get3A_781 = vector.shape_cast %get3A_780 : vector<1x1x16xf32> to vector<16xf32>
        %sub3A_782 = arith.subf %get3A_776, %get3A_781 : vector<16xf32>
        %mul3A_783 = vector.broadcast %squeeze3A_771 : f32 to vector<16xf32>
        %mul3A_784 = arith.mulf %mul3A_783, %sub3A_782 : vector<16xf32>
        %swap3A_785 = arith.index_cast %rem3A_135 : i32 to index
        %swap3A_786 = arith.index_cast %add3A_769 : i32 to index
        %swap3A_787 = arith.constant 0 : index
        %swap3A_788 = tpu.vector_load %arg13[%swap3A_785, %swap3A_786, %swap3A_787] {strides = array<i32>} : memref<3x128x32xf32, #tpu.memory_space<vmem>>, vector<1x1x16xf32>,
        %swap3A_789 = vector.shape_cast %swap3A_788 : vector<1x1x16xf32> to vector<16xf32>
        %swap3A_790 = vector.shape_cast %mul3A_784 : vector<16xf32> to vector<1x1x16xf32>
        tpu.vector_store %arg13[%swap3A_785, %swap3A_786, %swap3A_787], %swap3A_790 {strides = array<i32>} : memref<3x128x32xf32, #tpu.memory_space<vmem>>, vector<1x1x16xf32>,
        %get3A_791 = arith.index_cast %rem3A_135 : i32 to index
        %get3A_792 = arith.index_cast %add3A_769 : i32 to index
        %get3A_793 = arith.constant 16 : index
        %get3A_794 = tpu.vector_load %arg11[%get3A_791, %get3A_792, %get3A_793] {strides = array<i32>} : memref<3x128x32xf32, #tpu.memory_space<vmem>>, vector<1x1x16xf32>,
        %get3A_795 = vector.shape_cast %get3A_794 : vector<1x1x16xf32> to vector<16xf32>
        %get3A_796 = arith.index_cast %rem3A_135 : i32 to index
        %get3A_797 = arith.index_cast %add3A_769 : i32 to index
        %get3A_798 = arith.constant 16 : index
        %get3A_799 = tpu.vector_load %arg12[%get3A_796, %get3A_797, %get3A_798] {strides = array<i32>} : memref<3x128x32xf32, #tpu.memory_space<vmem>>, vector<1x1x16xf32>,
        %get3A_800 = vector.shape_cast %get3A_799 : vector<1x1x16xf32> to vector<16xf32>
        %sub3A_801 = arith.subf %get3A_795, %get3A_800 : vector<16xf32>
        %mul3A_802 = vector.broadcast %squeeze3A_771 : f32 to vector<16xf32>
        %mul3A_803 = arith.mulf %mul3A_802, %sub3A_801 : vector<16xf32>
        %swap3A_804 = arith.index_cast %rem3A_135 : i32 to index
        %swap3A_805 = arith.index_cast %add3A_769 : i32 to index
        %swap3A_806 = arith.constant 16 : index
        %swap3A_807 = tpu.vector_load %arg13[%swap3A_804, %swap3A_805, %swap3A_806] {strides = array<i32>} : memref<3x128x32xf32, #tpu.memory_space<vmem>>, vector<1x1x16xf32>,
        %swap3A_808 = vector.shape_cast %swap3A_807 : vector<1x1x16xf32> to vector<16xf32>
        %swap3A_809 = vector.shape_cast %mul3A_803 : vector<16xf32> to vector<1x1x16xf32>
        tpu.vector_store %arg13[%swap3A_804, %swap3A_805, %swap3A_806], %swap3A_809 {strides = array<i32>} : memref<3x128x32xf32, #tpu.memory_space<vmem>>, vector<1x1x16xf32>,
        %mul3A_810 = arith.constant 16 : i32
        %mul3A_811 = arith.muli %scan3A_190, %mul3A_810 : i32
        %add3A_812 = arith.constant 14 : i32
        %add3A_813 = arith.addi %mul3A_811, %add3A_812 : i32
        %slice3A_814 = vector.extract_strided_slice %get3A_197 {offsets = [14], sizes = [1], strides = [1]} : vector<16xf32> to vector<1xf32>
        %squeeze3A_815 = vector.extract %slice3A_814[0] : f32 from vector<1xf32>
        %get3A_816 = arith.index_cast %rem3A_135 : i32 to index
        %get3A_817 = arith.index_cast %add3A_813 : i32 to index
        %get3A_818 = arith.constant 0 : index
        %get3A_819 = tpu.vector_load %arg11[%get3A_816, %get3A_817, %get3A_818] {strides = array<i32>} : memref<3x128x32xf32, #tpu.memory_space<vmem>>, vector<1x1x16xf32>,
        %get3A_820 = vector.shape_cast %get3A_819 : vector<1x1x16xf32> to vector<16xf32>
        %get3A_821 = arith.index_cast %rem3A_135 : i32 to index
        %get3A_822 = arith.index_cast %add3A_813 : i32 to index
        %get3A_823 = arith.constant 0 : index
        %get3A_824 = tpu.vector_load %arg12[%get3A_821, %get3A_822, %get3A_823] {strides = array<i32>} : memref<3x128x32xf32, #tpu.memory_space<vmem>>, vector<1x1x16xf32>,
        %get3A_825 = vector.shape_cast %get3A_824 : vector<1x1x16xf32> to vector<16xf32>
        %sub3A_826 = arith.subf %get3A_820, %get3A_825 : vector<16xf32>
        %mul3A_827 = vector.broadcast %squeeze3A_815 : f32 to vector<16xf32>
        %mul3A_828 = arith.mulf %mul3A_827, %sub3A_826 : vector<16xf32>
        %swap3A_829 = arith.index_cast %rem3A_135 : i32 to index
        %swap3A_830 = arith.index_cast %add3A_813 : i32 to index
        %swap3A_831 = arith.constant 0 : index
        %swap3A_832 = tpu.vector_load %arg13[%swap3A_829, %swap3A_830, %swap3A_831] {strides = array<i32>} : memref<3x128x32xf32, #tpu.memory_space<vmem>>, vector<1x1x16xf32>,
        %swap3A_833 = vector.shape_cast %swap3A_832 : vector<1x1x16xf32> to vector<16xf32>
        %swap3A_834 = vector.shape_cast %mul3A_828 : vector<16xf32> to vector<1x1x16xf32>
        tpu.vector_store %arg13[%swap3A_829, %swap3A_830, %swap3A_831], %swap3A_834 {strides = array<i32>} : memref<3x128x32xf32, #tpu.memory_space<vmem>>, vector<1x1x16xf32>,
        %get3A_835 = arith.index_cast %rem3A_135 : i32 to index
        %get3A_836 = arith.index_cast %add3A_813 : i32 to index
        %get3A_837 = arith.constant 16 : index
        %get3A_838 = tpu.vector_load %arg11[%get3A_835, %get3A_836, %get3A_837] {strides = array<i32>} : memref<3x128x32xf32, #tpu.memory_space<vmem>>, vector<1x1x16xf32>,
        %get3A_839 = vector.shape_cast %get3A_838 : vector<1x1x16xf32> to vector<16xf32>
        %get3A_840 = arith.index_cast %rem3A_135 : i32 to index
        %get3A_841 = arith.index_cast %add3A_813 : i32 to index
        %get3A_842 = arith.constant 16 : index
        %get3A_843 = tpu.vector_load %arg12[%get3A_840, %get3A_841, %get3A_842] {strides = array<i32>} : memref<3x128x32xf32, #tpu.memory_space<vmem>>, vector<1x1x16xf32>,
        %get3A_844 = vector.shape_cast %get3A_843 : vector<1x1x16xf32> to vector<16xf32>
        %sub3A_845 = arith.subf %get3A_839, %get3A_844 : vector<16xf32>
        %mul3A_846 = vector.broadcast %squeeze3A_815 : f32 to vector<16xf32>
        %mul3A_847 = arith.mulf %mul3A_846, %sub3A_845 : vector<16xf32>
        %swap3A_848 = arith.index_cast %rem3A_135 : i32 to index
        %swap3A_849 = arith.index_cast %add3A_813 : i32 to index
        %swap3A_850 = arith.constant 16 : index
        %swap3A_851 = tpu.vector_load %arg13[%swap3A_848, %swap3A_849, %swap3A_850] {strides = array<i32>} : memref<3x128x32xf32, #tpu.memory_space<vmem>>, vector<1x1x16xf32>,
        %swap3A_852 = vector.shape_cast %swap3A_851 : vector<1x1x16xf32> to vector<16xf32>
        %swap3A_853 = vector.shape_cast %mul3A_847 : vector<16xf32> to vector<1x1x16xf32>
        tpu.vector_store %arg13[%swap3A_848, %swap3A_849, %swap3A_850], %swap3A_853 {strides = array<i32>} : memref<3x128x32xf32, #tpu.memory_space<vmem>>, vector<1x1x16xf32>,
        %mul3A_854 = arith.constant 16 : i32
        %mul3A_855 = arith.muli %scan3A_190, %mul3A_854 : i32
        %add3A_856 = arith.constant 15 : i32
        %add3A_857 = arith.addi %mul3A_855, %add3A_856 : i32
        %slice3A_858 = vector.extract_strided_slice %get3A_197 {offsets = [15], sizes = [1], strides = [1]} : vector<16xf32> to vector<1xf32>
        %squeeze3A_859 = vector.extract %slice3A_858[0] : f32 from vector<1xf32>
        %get3A_860 = arith.index_cast %rem3A_135 : i32 to index
        %get3A_861 = arith.index_cast %add3A_857 : i32 to index
        %get3A_862 = arith.constant 0 : index
        %get3A_863 = tpu.vector_load %arg11[%get3A_860, %get3A_861, %get3A_862] {strides = array<i32>} : memref<3x128x32xf32, #tpu.memory_space<vmem>>, vector<1x1x16xf32>,
        %get3A_864 = vector.shape_cast %get3A_863 : vector<1x1x16xf32> to vector<16xf32>
        %get3A_865 = arith.index_cast %rem3A_135 : i32 to index
        %get3A_866 = arith.index_cast %add3A_857 : i32 to index
        %get3A_867 = arith.constant 0 : index
        %get3A_868 = tpu.vector_load %arg12[%get3A_865, %get3A_866, %get3A_867] {strides = array<i32>} : memref<3x128x32xf32, #tpu.memory_space<vmem>>, vector<1x1x16xf32>,
        %get3A_869 = vector.shape_cast %get3A_868 : vector<1x1x16xf32> to vector<16xf32>
        %sub3A_870 = arith.subf %get3A_864, %get3A_869 : vector<16xf32>
        %mul3A_871 = vector.broadcast %squeeze3A_859 : f32 to vector<16xf32>
        %mul3A_872 = arith.mulf %mul3A_871, %sub3A_870 : vector<16xf32>
        %swap3A_873 = arith.index_cast %rem3A_135 : i32 to index
        %swap3A_874 = arith.index_cast %add3A_857 : i32 to index
        %swap3A_875 = arith.constant 0 : index
        %swap3A_876 = tpu.vector_load %arg13[%swap3A_873, %swap3A_874, %swap3A_875] {strides = array<i32>} : memref<3x128x32xf32, #tpu.memory_space<vmem>>, vector<1x1x16xf32>,
        %swap3A_877 = vector.shape_cast %swap3A_876 : vector<1x1x16xf32> to vector<16xf32>
        %swap3A_878 = vector.shape_cast %mul3A_872 : vector<16xf32> to vector<1x1x16xf32>
        tpu.vector_store %arg13[%swap3A_873, %swap3A_874, %swap3A_875], %swap3A_878 {strides = array<i32>} : memref<3x128x32xf32, #tpu.memory_space<vmem>>, vector<1x1x16xf32>,
        %get3A_879 = arith.index_cast %rem3A_135 : i32 to index
        %get3A_880 = arith.index_cast %add3A_857 : i32 to index
        %get3A_881 = arith.constant 16 : index
        %get3A_882 = tpu.vector_load %arg11[%get3A_879, %get3A_880, %get3A_881] {strides = array<i32>} : memref<3x128x32xf32, #tpu.memory_space<vmem>>, vector<1x1x16xf32>,
        %get3A_883 = vector.shape_cast %get3A_882 : vector<1x1x16xf32> to vector<16xf32>
        %get3A_884 = arith.index_cast %rem3A_135 : i32 to index
        %get3A_885 = arith.index_cast %add3A_857 : i32 to index
        %get3A_886 = arith.constant 16 : index
        %get3A_887 = tpu.vector_load %arg12[%get3A_884, %get3A_885, %get3A_886] {strides = array<i32>} : memref<3x128x32xf32, #tpu.memory_space<vmem>>, vector<1x1x16xf32>,
        %get3A_888 = vector.shape_cast %get3A_887 : vector<1x1x16xf32> to vector<16xf32>
        %sub3A_889 = arith.subf %get3A_883, %get3A_888 : vector<16xf32>
        %mul3A_890 = vector.broadcast %squeeze3A_859 : f32 to vector<16xf32>
        %mul3A_891 = arith.mulf %mul3A_890, %sub3A_889 : vector<16xf32>
        %swap3A_892 = arith.index_cast %rem3A_135 : i32 to index
        %swap3A_893 = arith.index_cast %add3A_857 : i32 to index
        %swap3A_894 = arith.constant 16 : index
        %swap3A_895 = tpu.vector_load %arg13[%swap3A_892, %swap3A_893, %swap3A_894] {strides = array<i32>} : memref<3x128x32xf32, #tpu.memory_space<vmem>>, vector<1x1x16xf32>,
        %swap3A_896 = vector.shape_cast %swap3A_895 : vector<1x1x16xf32> to vector<16xf32>
        %swap3A_897 = vector.shape_cast %mul3A_891 : vector<16xf32> to vector<1x1x16xf32>
        tpu.vector_store %arg13[%swap3A_892, %swap3A_893, %swap3A_894], %swap3A_897 {strides = array<i32>} : memref<3x128x32xf32, #tpu.memory_space<vmem>>, vector<1x1x16xf32>,
      }
      %scan3A_169 = arith.constant 8 : i32
      %dma_start3A_170 = arith.constant 0 : i32
      %dma_start3A_171 = arith.constant 0 : i32
      %dma_start3A_172 = tpu.memref_slice %arg13[%rem3A_135, %dma_start3A_170, %dma_start3A_171] : memref<3x128x32xf32, #tpu.memory_space<vmem>> -> memref<1x128x32xf32, #tpu.memory_space<vmem>>
      %dma_start3A_173 = tpu.memref_squeeze %dma_start3A_172 : memref<1x128x32xf32, #tpu.memory_space<vmem>> -> memref<128x32xf32, #tpu.memory_space<vmem>>
      %dma_start3A_174 = arith.constant 0 : i32
      %dma_start3A_175 = tpu.memref_slice %arg8[%scan3A_133, %dma_start3A_174] : memref<40x128xi32, #tpu.memory_space<vmem>> -> memref<1x128xi32, #tpu.memory_space<vmem>>
      %dma_start3A_176 = tpu.memref_squeeze %dma_start3A_175 : memref<1x128xi32, #tpu.memory_space<vmem>> -> memref<128xi32, #tpu.memory_space<vmem>>
      %dma_start3A_177 = arith.constant 0 : i32
      %dma_start3A_178 = arith.constant 0 : i32
      %dma_start3A_179 = tpu.memref_slice %arg14[%dma_start3A_177, %dma_start3A_178] : memref<10240x32xf32, #tpu.memory_space<vmem_shared>> -> memref<10240x32xf32, #tpu.memory_space<vmem_shared>>
      tpu.enqueue_indirect_dma source(%dma_start3A_173 : memref<128x32xf32, #tpu.memory_space<vmem>>) target(%dma_start3A_179 : memref<10240x32xf32, #tpu.memory_space<vmem_shared>>) offsets(%dma_start3A_176 : memref<128xi32, #tpu.memory_space<vmem>>) semaphore(%arg18 : memref<!tpu.dma_semaphore, #tpu.memory_space<semaphore_mem>>) {add = true}
      %dma_start3A_180 = arith.constant 0 : i32
      %dma_start3A_181 = arith.constant 0 : i32
      %dma_start3A_182 = tpu.memref_slice %arg13[%rem3A_135, %dma_start3A_180, %dma_start3A_181] : memref<3x128x32xf32, #tpu.memory_space<vmem>> -> memref<1x128x32xf32, #tpu.memory_space<vmem>>
      %dma_start3A_183 = tpu.memref_squeeze %dma_start3A_182 : memref<1x128x32xf32, #tpu.memory_space<vmem>> -> memref<128x32xf32, #tpu.memory_space<vmem>>
      %dma_start3A_184 = arith.constant 0 : i32
      %dma_start3A_185 = tpu.memref_slice %arg9[%scan3A_133, %dma_start3A_184] : memref<40x128xi32, #tpu.memory_space<vmem>> -> memref<1x128xi32, #tpu.memory_space<vmem>>
      %dma_start3A_186 = tpu.memref_squeeze %dma_start3A_185 : memref<1x128xi32, #tpu.memory_space<vmem>> -> memref<128xi32, #tpu.memory_space<vmem>>
      %dma_start3A_187 = arith.constant 0 : i32
      %dma_start3A_188 = arith.constant 0 : i32
      %dma_start3A_189 = tpu.memref_slice %arg15[%dma_start3A_187, %dma_start3A_188] : memref<10240x32xf32, #tpu.memory_space<vmem_shared>> -> memref<10240x32xf32, #tpu.memory_space<vmem_shared>>
      tpu.enqueue_indirect_dma source(%dma_start3A_183 : memref<128x32xf32, #tpu.memory_space<vmem>>) target(%dma_start3A_189 : memref<10240x32xf32, #tpu.memory_space<vmem_shared>>) offsets(%dma_start3A_186 : memref<128xi32, #tpu.memory_space<vmem>>) semaphore(%arg18 : memref<!tpu.dma_semaphore, #tpu.memory_space<semaphore_mem>>) {add = true}
    }
    %scan3A_59 = arith.constant 40 : i32
    %dma_wait3A = arith.constant 0 : i32
    %dma_wait3A_60 = arith.constant 0 : i32
    %dma_wait3A_61 = arith.constant 0 : i32
    %dma_wait3A_62 = arith.constant 0 : i32
    %dma_wait3A_63 = tpu.memref_slice %arg13[%dma_wait3A, %dma_wait3A_61, %dma_wait3A_62] : memref<3x128x32xf32, #tpu.memory_space<vmem>> -> memref<1x128x32xf32, #tpu.memory_space<vmem>>
    %dma_wait3A_64 = tpu.memref_squeeze %dma_wait3A_63 : memref<1x128x32xf32, #tpu.memory_space<vmem>> -> memref<128x32xf32, #tpu.memory_space<vmem>>
    %dma_wait3A_65 = arith.constant 0 : i32
    %dma_wait3A_66 = tpu.memref_slice %arg8[%dma_wait3A_60, %dma_wait3A_65] : memref<40x128xi32, #tpu.memory_space<vmem>> -> memref<1x128xi32, #tpu.memory_space<vmem>>
    %dma_wait3A_67 = tpu.memref_squeeze %dma_wait3A_66 : memref<1x128xi32, #tpu.memory_space<vmem>> -> memref<128xi32, #tpu.memory_space<vmem>>
    %dma_wait3A_68 = arith.constant 0 : i32
    %dma_wait3A_69 = arith.constant 0 : i32
    %dma_wait3A_70 = tpu.memref_slice %arg14[%dma_wait3A_68, %dma_wait3A_69] : memref<10240x32xf32, #tpu.memory_space<vmem_shared>> -> memref<10240x32xf32, #tpu.memory_space<vmem_shared>>
    tpu.wait_indirect_dma semaphore(%arg18 : memref<!tpu.dma_semaphore, #tpu.memory_space<semaphore_mem>>) src(%dma_wait3A_64 : memref<128x32xf32, #tpu.memory_space<vmem>>) dst(%dma_wait3A_70 : memref<10240x32xf32, #tpu.memory_space<vmem_shared>>)
    %dma_wait3A_71 = arith.constant 0 : i32
    %dma_wait3A_72 = arith.constant 0 : i32
    %dma_wait3A_73 = arith.constant 0 : i32
    %dma_wait3A_74 = arith.constant 0 : i32
    %dma_wait3A_75 = tpu.memref_slice %arg13[%dma_wait3A_71, %dma_wait3A_73, %dma_wait3A_74] : memref<3x128x32xf32, #tpu.memory_space<vmem>> -> memref<1x128x32xf32, #tpu.memory_space<vmem>>
    %dma_wait3A_76 = tpu.memref_squeeze %dma_wait3A_75 : memref<1x128x32xf32, #tpu.memory_space<vmem>> -> memref<128x32xf32, #tpu.memory_space<vmem>>
    %dma_wait3A_77 = arith.constant 0 : i32
    %dma_wait3A_78 = tpu.memref_slice %arg8[%dma_wait3A_72, %dma_wait3A_77] : memref<40x128xi32, #tpu.memory_space<vmem>> -> memref<1x128xi32, #tpu.memory_space<vmem>>
    %dma_wait3A_79 = tpu.memref_squeeze %dma_wait3A_78 : memref<1x128xi32, #tpu.memory_space<vmem>> -> memref<128xi32, #tpu.memory_space<vmem>>
    %dma_wait3A_80 = arith.constant 0 : i32
    %dma_wait3A_81 = arith.constant 0 : i32
    %dma_wait3A_82 = tpu.memref_slice %arg14[%dma_wait3A_80, %dma_wait3A_81] : memref<10240x32xf32, #tpu.memory_space<vmem_shared>> -> memref<10240x32xf32, #tpu.memory_space<vmem_shared>>
    tpu.wait_indirect_dma semaphore(%arg18 : memref<!tpu.dma_semaphore, #tpu.memory_space<semaphore_mem>>) src(%dma_wait3A_76 : memref<128x32xf32, #tpu.memory_space<vmem>>) dst(%dma_wait3A_82 : memref<10240x32xf32, #tpu.memory_space<vmem_shared>>)
    %dma_wait3A_83 = arith.constant 0 : i32
    %dma_wait3A_84 = arith.constant 0 : i32
    %dma_wait3A_85 = arith.constant 0 : i32
    %dma_wait3A_86 = arith.constant 0 : i32
    %dma_wait3A_87 = tpu.memref_slice %arg13[%dma_wait3A_83, %dma_wait3A_85, %dma_wait3A_86] : memref<3x128x32xf32, #tpu.memory_space<vmem>> -> memref<1x128x32xf32, #tpu.memory_space<vmem>>
    %dma_wait3A_88 = tpu.memref_squeeze %dma_wait3A_87 : memref<1x128x32xf32, #tpu.memory_space<vmem>> -> memref<128x32xf32, #tpu.memory_space<vmem>>
    %dma_wait3A_89 = arith.constant 0 : i32
    %dma_wait3A_90 = tpu.memref_slice %arg8[%dma_wait3A_84, %dma_wait3A_89] : memref<40x128xi32, #tpu.memory_space<vmem>> -> memref<1x128xi32, #tpu.memory_space<vmem>>
    %dma_wait3A_91 = tpu.memref_squeeze %dma_wait3A_90 : memref<1x128xi32, #tpu.memory_space<vmem>> -> memref<128xi32, #tpu.memory_space<vmem>>
    %dma_wait3A_92 = arith.constant 0 : i32
    %dma_wait3A_93 = arith.constant 0 : i32
    %dma_wait3A_94 = tpu.memref_slice %arg14[%dma_wait3A_92, %dma_wait3A_93] : memref<10240x32xf32, #tpu.memory_space<vmem_shared>> -> memref<10240x32xf32, #tpu.memory_space<vmem_shared>>
    tpu.wait_indirect_dma semaphore(%arg18 : memref<!tpu.dma_semaphore, #tpu.memory_space<semaphore_mem>>) src(%dma_wait3A_88 : memref<128x32xf32, #tpu.memory_space<vmem>>) dst(%dma_wait3A_94 : memref<10240x32xf32, #tpu.memory_space<vmem_shared>>)
    %dma_wait3A_95 = arith.constant 0 : i32
    %dma_wait3A_96 = arith.constant 0 : i32
    %dma_wait3A_97 = arith.constant 0 : i32
    %dma_wait3A_98 = arith.constant 0 : i32
    %dma_wait3A_99 = tpu.memref_slice %arg13[%dma_wait3A_95, %dma_wait3A_97, %dma_wait3A_98] : memref<3x128x32xf32, #tpu.memory_space<vmem>> -> memref<1x128x32xf32, #tpu.memory_space<vmem>>
    %dma_wait3A_100 = tpu.memref_squeeze %dma_wait3A_99 : memref<1x128x32xf32, #tpu.memory_space<vmem>> -> memref<128x32xf32, #tpu.memory_space<vmem>>
    %dma_wait3A_101 = arith.constant 0 : i32
    %dma_wait3A_102 = tpu.memref_slice %arg8[%dma_wait3A_96, %dma_wait3A_101] : memref<40x128xi32, #tpu.memory_space<vmem>> -> memref<1x128xi32, #tpu.memory_space<vmem>>
    %dma_wait3A_103 = tpu.memref_squeeze %dma_wait3A_102 : memref<1x128xi32, #tpu.memory_space<vmem>> -> memref<128xi32, #tpu.memory_space<vmem>>
    %dma_wait3A_104 = arith.constant 0 : i32
    %dma_wait3A_105 = arith.constant 0 : i32
    %dma_wait3A_106 = tpu.memref_slice %arg14[%dma_wait3A_104, %dma_wait3A_105] : memref<10240x32xf32, #tpu.memory_space<vmem_shared>> -> memref<10240x32xf32, #tpu.memory_space<vmem_shared>>
    tpu.wait_indirect_dma semaphore(%arg18 : memref<!tpu.dma_semaphore, #tpu.memory_space<semaphore_mem>>) src(%dma_wait3A_100 : memref<128x32xf32, #tpu.memory_space<vmem>>) dst(%dma_wait3A_106 : memref<10240x32xf32, #tpu.memory_space<vmem_shared>>)
    %dma_wait3A_107 = arith.constant 0 : i32
    %dma_wait3A_108 = arith.constant 0 : i32
    %dma_wait3A_109 = arith.constant 0 : i32
    %dma_wait3A_110 = arith.constant 0 : i32
    %dma_wait3A_111 = tpu.memref_slice %arg13[%dma_wait3A_107, %dma_wait3A_109, %dma_wait3A_110] : memref<3x128x32xf32, #tpu.memory_space<vmem>> -> memref<1x128x32xf32, #tpu.memory_space<vmem>>
    %dma_wait3A_112 = tpu.memref_squeeze %dma_wait3A_111 : memref<1x128x32xf32, #tpu.memory_space<vmem>> -> memref<128x32xf32, #tpu.memory_space<vmem>>
    %dma_wait3A_113 = arith.constant 0 : i32
    %dma_wait3A_114 = tpu.memref_slice %arg8[%dma_wait3A_108, %dma_wait3A_113] : memref<40x128xi32, #tpu.memory_space<vmem>> -> memref<1x128xi32, #tpu.memory_space<vmem>>
    %dma_wait3A_115 = tpu.memref_squeeze %dma_wait3A_114 : memref<1x128xi32, #tpu.memory_space<vmem>> -> memref<128xi32, #tpu.memory_space<vmem>>
    %dma_wait3A_116 = arith.constant 0 : i32
    %dma_wait3A_117 = arith.constant 0 : i32
    %dma_wait3A_118 = tpu.memref_slice %arg14[%dma_wait3A_116, %dma_wait3A_117] : memref<10240x32xf32, #tpu.memory_space<vmem_shared>> -> memref<10240x32xf32, #tpu.memory_space<vmem_shared>>
    tpu.wait_indirect_dma semaphore(%arg18 : memref<!tpu.dma_semaphore, #tpu.memory_space<semaphore_mem>>) src(%dma_wait3A_112 : memref<128x32xf32, #tpu.memory_space<vmem>>) dst(%dma_wait3A_118 : memref<10240x32xf32, #tpu.memory_space<vmem_shared>>)
    %dma_wait3A_119 = arith.constant 0 : i32
    %dma_wait3A_120 = arith.constant 0 : i32
    %dma_wait3A_121 = arith.constant 0 : i32
    %dma_wait3A_122 = arith.constant 0 : i32
    %dma_wait3A_123 = tpu.memref_slice %arg13[%dma_wait3A_119, %dma_wait3A_121, %dma_wait3A_122] : memref<3x128x32xf32, #tpu.memory_space<vmem>> -> memref<1x128x32xf32, #tpu.memory_space<vmem>>
    %dma_wait3A_124 = tpu.memref_squeeze %dma_wait3A_123 : memref<1x128x32xf32, #tpu.memory_space<vmem>> -> memref<128x32xf32, #tpu.memory_space<vmem>>
    %dma_wait3A_125 = arith.constant 0 : i32
    %dma_wait3A_126 = tpu.memref_slice %arg8[%dma_wait3A_120, %dma_wait3A_125] : memref<40x128xi32, #tpu.memory_space<vmem>> -> memref<1x128xi32, #tpu.memory_space<vmem>>
    %dma_wait3A_127 = tpu.memref_squeeze %dma_wait3A_126 : memref<1x128xi32, #tpu.memory_space<vmem>> -> memref<128xi32, #tpu.memory_space<vmem>>
    %dma_wait3A_128 = arith.constant 0 : i32
    %dma_wait3A_129 = arith.constant 0 : i32
    %dma_wait3A_130 = tpu.memref_slice %arg14[%dma_wait3A_128, %dma_wait3A_129] : memref<10240x32xf32, #tpu.memory_space<vmem_shared>> -> memref<10240x32xf32, #tpu.memory_space<vmem_shared>>
    tpu.wait_indirect_dma semaphore(%arg18 : memref<!tpu.dma_semaphore, #tpu.memory_space<semaphore_mem>>) src(%dma_wait3A_124 : memref<128x32xf32, #tpu.memory_space<vmem>>) dst(%dma_wait3A_130 : memref<10240x32xf32, #tpu.memory_space<vmem_shared>>)
    %barrier3A_131 = arith.constant 0 : index
    tpu.barrier barrier_id(%barrier3A_131)
    %run_scoped3A = arith.constant 0 : i32
    "tpu.region"() ({
      %run_scoped3A_133 = tpu.sem_alloc : memref<!tpu.dma_semaphore, #tpu.memory_space<semaphore_mem>>
      %dma_start3A_134 = arith.constant 0 : i32
      %dma_start3A_135 = tpu.memref_slice %arg7[%arg0, %run_scoped3A, %mul3A_6, %dma_start3A_134] : memref<2x2x10240x32xf32, #tpu.memory_space<hbm>> -> memref<1x1x640x32xf32, #tpu.memory_space<hbm>>
      %dma_start3A_136 = tpu.memref_squeeze %dma_start3A_135 : memref<1x1x640x32xf32, #tpu.memory_space<hbm>> -> memref<640x32xf32, #tpu.memory_space<hbm>>
      %dma_start3A_137 = arith.constant 0 : i32
      %dma_start3A_138 = tpu.memref_slice %arg14[%mul3A_6, %dma_start3A_137] : memref<10240x32xf32, #tpu.memory_space<vmem_shared>> -> memref<640x32xf32, #tpu.memory_space<vmem_shared>>
      tpu.enqueue_dma source(%dma_start3A_138 : memref<640x32xf32, #tpu.memory_space<vmem_shared>>) target(%dma_start3A_136 : memref<640x32xf32, #tpu.memory_space<hbm>>) target_semaphore(%run_scoped3A_133 : memref<!tpu.dma_semaphore, #tpu.memory_space<semaphore_mem>>)
      %dma_wait3A_139 = arith.constant 0 : i32
      %dma_wait3A_140 = tpu.memref_slice %arg7[%arg0, %run_scoped3A, %mul3A_6, %dma_wait3A_139] : memref<2x2x10240x32xf32, #tpu.memory_space<hbm>> -> memref<1x1x640x32xf32, #tpu.memory_space<hbm>>
      %dma_wait3A_141 = tpu.memref_squeeze %dma_wait3A_140 : memref<1x1x640x32xf32, #tpu.memory_space<hbm>> -> memref<640x32xf32, #tpu.memory_space<hbm>>
      %dma_wait3A_142 = arith.constant 0 : i32
      %dma_wait3A_143 = tpu.memref_slice %arg14[%mul3A_6, %dma_wait3A_142] : memref<10240x32xf32, #tpu.memory_space<vmem_shared>> -> memref<640x32xf32, #tpu.memory_space<vmem_shared>>
      tpu.wait_dma2 semaphore(%run_scoped3A_133 : memref<!tpu.dma_semaphore, #tpu.memory_space<semaphore_mem>>) src(%dma_wait3A_143 : memref<640x32xf32, #tpu.memory_space<vmem_shared>>) dst(%dma_wait3A_141 : memref<640x32xf32, #tpu.memory_space<hbm>>)
      tpu.yield
    }) : () -> ()
    %run_scoped3A_132 = arith.constant 1 : i32
    "tpu.region"() ({
      %run_scoped3A_133 = tpu.sem_alloc : memref<!tpu.dma_semaphore, #tpu.memory_space<semaphore_mem>>
      %dma_start3A_134 = arith.constant 0 : i32
      %dma_start3A_135 = tpu.memref_slice %arg7[%arg0, %run_scoped3A_132, %mul3A_6, %dma_start3A_134] : memref<2x2x10240x32xf32, #tpu.memory_space<hbm>> -> memref<1x1x640x32xf32, #tpu.memory_space<hbm>>
      %dma_start3A_136 = tpu.memref_squeeze %dma_start3A_135 : memref<1x1x640x32xf32, #tpu.memory_space<hbm>> -> memref<640x32xf32, #tpu.memory_space<hbm>>
      %dma_start3A_137 = arith.constant 0 : i32
      %dma_start3A_138 = tpu.memref_slice %arg15[%mul3A_6, %dma_start3A_137] : memref<10240x32xf32, #tpu.memory_space<vmem_shared>> -> memref<640x32xf32, #tpu.memory_space<vmem_shared>>
      tpu.enqueue_dma source(%dma_start3A_138 : memref<640x32xf32, #tpu.memory_space<vmem_shared>>) target(%dma_start3A_136 : memref<640x32xf32, #tpu.memory_space<hbm>>) target_semaphore(%run_scoped3A_133 : memref<!tpu.dma_semaphore, #tpu.memory_space<semaphore_mem>>)
      %dma_wait3A_139 = arith.constant 0 : i32
      %dma_wait3A_140 = tpu.memref_slice %arg7[%arg0, %run_scoped3A_132, %mul3A_6, %dma_wait3A_139] : memref<2x2x10240x32xf32, #tpu.memory_space<hbm>> -> memref<1x1x640x32xf32, #tpu.memory_space<hbm>>
      %dma_wait3A_141 = tpu.memref_squeeze %dma_wait3A_140 : memref<1x1x640x32xf32, #tpu.memory_space<hbm>> -> memref<640x32xf32, #tpu.memory_space<hbm>>
      %dma_wait3A_142 = arith.constant 0 : i32
      %dma_wait3A_143 = tpu.memref_slice %arg15[%mul3A_6, %dma_wait3A_142] : memref<10240x32xf32, #tpu.memory_space<vmem_shared>> -> memref<640x32xf32, #tpu.memory_space<vmem_shared>>
      tpu.wait_dma2 semaphore(%run_scoped3A_133 : memref<!tpu.dma_semaphore, #tpu.memory_space<semaphore_mem>>) src(%dma_wait3A_143 : memref<640x32xf32, #tpu.memory_space<vmem_shared>>) dst(%dma_wait3A_141 : memref<640x32xf32, #tpu.memory_space<hbm>>)
      tpu.yield
    }) : () -> ()
    return
  }
}

module attributes {stable_mosaic.version = 14 : i64} {
  func.func @_edge_body(%arg0: i32, %arg1: memref<16x160000xf32, #tpu.memory_space<vmem>>, %arg2: memref<16x1xf32, #tpu.memory_space<vmem>>, %arg3: memref<1xf32, #tpu.memory_space<vmem>>, %arg4: memref<163840xf32, #tpu.memory_space<vmem>>) attributes {dimension_semantics = [#tpu.dimension_semantics<arbitrary>], iteration_bounds = array<i64: 1>, scalar_prefetch = 0 : i64, scratch_operands = 0 : i64, tpu.core_type = #tpu.core_type<tc>, window_params = [{pipeline_mode = #tpu.pipeline_mode<synchronous>, transform_indices = @transform_0, window_bounds = array<i64: 16, 160000>}, {pipeline_mode = #tpu.pipeline_mode<synchronous>, transform_indices = @transform_1, window_bounds = array<i64: 16, 1>}, {pipeline_mode = #tpu.pipeline_mode<synchronous>, transform_indices = @transform_2, window_bounds = array<i64: 1>}, {pipeline_mode = #tpu.pipeline_mode<synchronous>, transform_indices = @transform_3, window_bounds = array<i64: 163840>}]} {
    %get3A = arith.constant 0 : index
    %get3A_0 = arith.constant 0 : index
    %get3A_1 = vector.load %arg1[%get3A, %get3A_0] : memref<16x160000xf32, #tpu.memory_space<vmem>>, vector<16x160000xf32>
    %get3A_2 = arith.constant 0 : index
    %get3A_3 = arith.constant 0 : index
    %get3A_4 = vector.load %arg2[%get3A_2, %get3A_3] : memref<16x1xf32, #tpu.memory_space<vmem>>, vector<16x1xf32>
    %mul3A = vector.broadcast %get3A_4 : vector<16x1xf32> to vector<16x160000xf32>
    %mul3A_5 = arith.mulf %get3A_1, %mul3A : vector<16x160000xf32>
    %reduce_sum3A = arith.constant dense<0.000000e+00> : vector<160000xf32>
    %reduce_sum3A_6 = vector.multi_reduction <add>, %mul3A_5, %reduce_sum3A [0] : vector<16x160000xf32> to vector<160000xf32>
    %get3A_7 = arith.constant 0 : index
    %get3A_8 = vector.load %arg3[%get3A_7] : memref<1xf32, #tpu.memory_space<vmem>>, vector<1xf32>
    %squeeze3A = vector.extract %get3A_8[0] : f32 from vector<1xf32>
    %add3A = vector.broadcast %squeeze3A : f32 to vector<160000xf32>
    %add3A_9 = arith.addf %reduce_sum3A_6, %add3A : vector<160000xf32>
    %max3A = arith.constant 0.000000e+00 : f32
    %max3A_10 = vector.broadcast %max3A : f32 to vector<160000xf32>
    %max3A_11 = arith.maximumf %add3A_9, %max3A_10 : vector<160000xf32>
    %abs3A = math.absf %add3A_9 : vector<160000xf32>
    %neg3A = arith.constant 0.000000e+00 : f32
    %neg3A_12 = vector.broadcast %neg3A : f32 to vector<160000xf32>
    %neg3A_13 = arith.subf %neg3A_12, %abs3A : vector<160000xf32>
    %exp3A = math.exp %neg3A_13 : vector<160000xf32>
    %log1p3A = math.log1p %exp3A : vector<160000xf32>
    %add3A_14 = arith.addf %max3A_11, %log1p3A : vector<160000xf32>
    %broadcast_in_dim3A = arith.constant 0.000000e+00 : f32
    %broadcast_in_dim3A_15 = vector.broadcast %broadcast_in_dim3A : f32 to vector<3840xf32>
    %concatenate3A = tpu.concatenate %add3A_14, %broadcast_in_dim3A_15 in 0 : vector<160000xf32>, vector<3840xf32> -> vector<163840xf32>
    %swap3A = arith.constant 0 : index
    %swap3A_16 = vector.load %arg4[%swap3A] : memref<163840xf32, #tpu.memory_space<vmem>>, vector<163840xf32>
    tpu.vector_store %arg4[%swap3A], %concatenate3A {strides = array<i32>} : memref<163840xf32, #tpu.memory_space<vmem>>, vector<163840xf32>,
    return
  }
  func.func @transform_0(%arg0: i32) -> (i32, i32) {
    %c0_i32 = arith.constant 0 : i32
    %c0_i32_0 = arith.constant 0 : i32
    %c0_i32_1 = arith.constant 0 : i32
    return %c0_i32, %c0_i32_0 : i32, i32
  }
  func.func @transform_1(%arg0: i32) -> (i32, i32) {
    %c0_i32 = arith.constant 0 : i32
    %c0_i32_0 = arith.constant 0 : i32
    %c0_i32_1 = arith.constant 0 : i32
    return %c0_i32, %c0_i32_0 : i32, i32
  }
  func.func @transform_2(%arg0: i32) -> i32 {
    %c0_i32 = arith.constant 0 : i32
    %c0_i32_0 = arith.constant 0 : i32
    return %c0_i32 : i32
  }
  func.func @transform_3(%arg0: i32) -> i32 {
    %c0_i32 = arith.constant 0 : i32
    %c0_i32_0 = arith.constant 0 : i32
    return %c0_i32 : i32
  }
}

module attributes {stable_mosaic.version = 14 : i64} {
  func.func @_node_body(%arg0: i32, %arg1: memref<2000x256xf32, #tpu.memory_space<vmem>>, %arg2: memref<2000x32xf32, #tpu.memory_space<vmem>>, %arg3: memref<2000x32xf32, #tpu.memory_space<vmem>>, %arg4: memref<2000x1xf32, #tpu.memory_space<vmem>>, %arg5: memref<256x32xf32, #tpu.memory_space<vmem>>, %arg6: memref<1x32xf32, #tpu.memory_space<vmem>>, %arg7: memref<256x1xf32, #tpu.memory_space<vmem>>, %arg8: memref<1x1xf32, #tpu.memory_space<vmem>>, %arg9: memref<2000x32xf32, #tpu.memory_space<vmem>>, %arg10: memref<2000x1xf32, #tpu.memory_space<vmem>>, %arg11: memref<2000x32xf32, #tpu.memory_space<vmem>>) attributes {dimension_semantics = [#tpu.dimension_semantics<arbitrary>], iteration_bounds = array<i64: 5>, scalar_prefetch = 0 : i64, scratch_operands = 0 : i64, tpu.core_type = #tpu.core_type<tc>, window_params = [{transform_indices = @transform_0, window_bounds = array<i64: 2000, 256>}, {transform_indices = @transform_1, window_bounds = array<i64: 2000, 32>}, {transform_indices = @transform_2, window_bounds = array<i64: 2000, 32>}, {transform_indices = @transform_3, window_bounds = array<i64: 2000, 1>}, {pipeline_mode = #tpu.pipeline_mode<synchronous>, transform_indices = @transform_4, window_bounds = array<i64: 256, 32>}, {pipeline_mode = #tpu.pipeline_mode<synchronous>, transform_indices = @transform_5, window_bounds = array<i64: 1, 32>}, {pipeline_mode = #tpu.pipeline_mode<synchronous>, transform_indices = @transform_6, window_bounds = array<i64: 256, 1>}, {pipeline_mode = #tpu.pipeline_mode<synchronous>, transform_indices = @transform_7, window_bounds = array<i64: 1, 1>}, {transform_indices = @transform_8, window_bounds = array<i64: 2000, 32>}, {transform_indices = @transform_9, window_bounds = array<i64: 2000, 1>}, {transform_indices = @transform_10, window_bounds = array<i64: 2000, 32>}]} {
    %get3A = arith.constant 0 : index
    %get3A_0 = arith.constant 0 : index
    %get3A_1 = vector.load %arg1[%get3A, %get3A_0] : memref<2000x256xf32, #tpu.memory_space<vmem>>, vector<2000x256xf32>
    %get3A_2 = arith.constant 0 : index
    %get3A_3 = arith.constant 0 : index
    %get3A_4 = vector.load %arg5[%get3A_2, %get3A_3] : memref<256x32xf32, #tpu.memory_space<vmem>>, vector<256x32xf32>
    %dot_general3A = arith.constant dense<0.000000e+00> : vector<2000x32xf32>
    %dot_general3A_5 = tpu.matmul %get3A_1, %get3A_4, %dot_general3A {dimension_numbers = #tpu.dot_dimension_numbers<[1], [0], [0], [1], [0, 0, 1, 1], [], []>, transpose_lhs_hint = false} : vector<2000x256xf32>, vector<256x32xf32>, vector<2000x32xf32> -> vector<2000x32xf32>
    %get3A_6 = arith.constant 0 : index
    %get3A_7 = arith.constant 0 : index
    %get3A_8 = vector.load %arg6[%get3A_6, %get3A_7] : memref<1x32xf32, #tpu.memory_space<vmem>>, vector<1x32xf32>
    %add3A = vector.broadcast %get3A_8 : vector<1x32xf32> to vector<2000x32xf32>
    %add3A_9 = arith.addf %dot_general3A_5, %add3A : vector<2000x32xf32>
    %swap3A = arith.constant 0 : index
    %swap3A_10 = arith.constant 0 : index
    %swap3A_11 = vector.load %arg9[%swap3A, %swap3A_10] : memref<2000x32xf32, #tpu.memory_space<vmem>>, vector<2000x32xf32>
    tpu.vector_store %arg9[%swap3A, %swap3A_10], %add3A_9 {strides = array<i32>} : memref<2000x32xf32, #tpu.memory_space<vmem>>, vector<2000x32xf32>,
    %get3A_12 = arith.constant 0 : index
    %get3A_13 = arith.constant 0 : index
    %get3A_14 = vector.load %arg7[%get3A_12, %get3A_13] : memref<256x1xf32, #tpu.memory_space<vmem>>, vector<256x1xf32>
    %dot_general3A_15 = arith.constant dense<0.000000e+00> : vector<2000x1xf32>
    %dot_general3A_16 = tpu.matmul %get3A_1, %get3A_14, %dot_general3A_15 {dimension_numbers = #tpu.dot_dimension_numbers<[1], [0], [0], [1], [0, 0, 1, 1], [], []>, transpose_lhs_hint = false} : vector<2000x256xf32>, vector<256x1xf32>, vector<2000x1xf32> -> vector<2000x1xf32>
    %get3A_17 = arith.constant 0 : index
    %get3A_18 = arith.constant 0 : index
    %get3A_19 = vector.load %arg8[%get3A_17, %get3A_18] : memref<1x1xf32, #tpu.memory_space<vmem>>, vector<1x1xf32>
    %add3A_20 = vector.broadcast %get3A_19 : vector<1x1xf32> to vector<2000x1xf32>
    %add3A_21 = arith.addf %dot_general3A_16, %add3A_20 : vector<2000x1xf32>
    %max3A = arith.constant 0.000000e+00 : f32
    %max3A_22 = vector.broadcast %max3A : f32 to vector<2000x1xf32>
    %max3A_23 = arith.maximumf %add3A_21, %max3A_22 : vector<2000x1xf32>
    %abs3A = math.absf %add3A_21 : vector<2000x1xf32>
    %neg3A = arith.constant 0.000000e+00 : f32
    %neg3A_24 = vector.broadcast %neg3A : f32 to vector<2000x1xf32>
    %neg3A_25 = arith.subf %neg3A_24, %abs3A : vector<2000x1xf32>
    %exp3A = math.exp %neg3A_25 : vector<2000x1xf32>
    %log1p3A = math.log1p %exp3A : vector<2000x1xf32>
    %add3A_26 = arith.addf %max3A_23, %log1p3A : vector<2000x1xf32>
    %swap3A_27 = arith.constant 0 : index
    %swap3A_28 = arith.constant 0 : index
    %swap3A_29 = vector.load %arg10[%swap3A_27, %swap3A_28] : memref<2000x1xf32, #tpu.memory_space<vmem>>, vector<2000x1xf32>
    tpu.vector_store %arg10[%swap3A_27, %swap3A_28], %add3A_26 {strides = array<i32>} : memref<2000x1xf32, #tpu.memory_space<vmem>>, vector<2000x1xf32>,
    %get3A_30 = arith.constant 0 : index
    %get3A_31 = arith.constant 0 : index
    %get3A_32 = vector.load %arg3[%get3A_30, %get3A_31] : memref<2000x32xf32, #tpu.memory_space<vmem>>, vector<2000x32xf32>
    %get3A_33 = arith.constant 0 : index
    %get3A_34 = arith.constant 0 : index
    %get3A_35 = vector.load %arg2[%get3A_33, %get3A_34] : memref<2000x32xf32, #tpu.memory_space<vmem>>, vector<2000x32xf32>
    %get3A_36 = arith.constant 0 : index
    %get3A_37 = arith.constant 0 : index
    %get3A_38 = vector.load %arg4[%get3A_36, %get3A_37] : memref<2000x1xf32, #tpu.memory_space<vmem>>, vector<2000x1xf32>
    %div3A = vector.broadcast %get3A_38 : vector<2000x1xf32> to vector<2000x32xf32>
    %div3A_39 = arith.divf %get3A_35, %div3A : vector<2000x32xf32>
    %mul3A = arith.constant 2.500000e-01 : f32
    %mul3A_40 = vector.broadcast %mul3A : f32 to vector<2000x32xf32>
    %mul3A_41 = arith.mulf %mul3A_40, %div3A_39 : vector<2000x32xf32>
    %add3A_42 = arith.addf %get3A_32, %mul3A_41 : vector<2000x32xf32>
    %swap3A_43 = arith.constant 0 : index
    %swap3A_44 = arith.constant 0 : index
    %swap3A_45 = vector.load %arg11[%swap3A_43, %swap3A_44] : memref<2000x32xf32, #tpu.memory_space<vmem>>, vector<2000x32xf32>
    tpu.vector_store %arg11[%swap3A_43, %swap3A_44], %add3A_42 {strides = array<i32>} : memref<2000x32xf32, #tpu.memory_space<vmem>>, vector<2000x32xf32>,
    return
  }
  func.func @transform_0(%arg0: i32) -> (i32, i32) {
    %c0_i32 = arith.constant 0 : i32
    %c0_i32_0 = arith.constant 0 : i32
    return %arg0, %c0_i32 : i32, i32
  }
  func.func @transform_1(%arg0: i32) -> (i32, i32) {
    %c0_i32 = arith.constant 0 : i32
    %c0_i32_0 = arith.constant 0 : i32
    return %arg0, %c0_i32 : i32, i32
  }
  func.func @transform_2(%arg0: i32) -> (i32, i32) {
    %c0_i32 = arith.constant 0 : i32
    %c0_i32_0 = arith.constant 0 : i32
    return %arg0, %c0_i32 : i32, i32
  }
  func.func @transform_3(%arg0: i32) -> (i32, i32) {
    %c0_i32 = arith.constant 0 : i32
    %c0_i32_0 = arith.constant 0 : i32
    return %arg0, %c0_i32 : i32, i32
  }
  func.func @transform_4(%arg0: i32) -> (i32, i32) {
    %c0_i32 = arith.constant 0 : i32
    %c0_i32_0 = arith.constant 0 : i32
    %c0_i32_1 = arith.constant 0 : i32
    return %c0_i32, %c0_i32_0 : i32, i32
  }
  func.func @transform_5(%arg0: i32) -> (i32, i32) {
    %c0_i32 = arith.constant 0 : i32
    %c0_i32_0 = arith.constant 0 : i32
    %c0_i32_1 = arith.constant 0 : i32
    return %c0_i32, %c0_i32_0 : i32, i32
  }
  func.func @transform_6(%arg0: i32) -> (i32, i32) {
    %c0_i32 = arith.constant 0 : i32
    %c0_i32_0 = arith.constant 0 : i32
    %c0_i32_1 = arith.constant 0 : i32
    return %c0_i32, %c0_i32_0 : i32, i32
  }
  func.func @transform_7(%arg0: i32) -> (i32, i32) {
    %c0_i32 = arith.constant 0 : i32
    %c0_i32_0 = arith.constant 0 : i32
    %c0_i32_1 = arith.constant 0 : i32
    return %c0_i32, %c0_i32_0 : i32, i32
  }
  func.func @transform_8(%arg0: i32) -> (i32, i32) {
    %c0_i32 = arith.constant 0 : i32
    %c0_i32_0 = arith.constant 0 : i32
    return %arg0, %c0_i32 : i32, i32
  }
  func.func @transform_9(%arg0: i32) -> (i32, i32) {
    %c0_i32 = arith.constant 0 : i32
    %c0_i32_0 = arith.constant 0 : i32
    return %arg0, %c0_i32 : i32, i32
  }
  func.func @transform_10(%arg0: i32) -> (i32, i32) {
    %c0_i32 = arith.constant 0 : i32
    %c0_i32_0 = arith.constant 0 : i32
    return %arg0, %c0_i32 : i32, i32
  }
}

module attributes {stable_mosaic.version = 14 : i64} {
  func.func @_final_body(%arg0: i32, %arg1: memref<2000x32xf32, #tpu.memory_space<vmem>>, %arg2: memref<2000x32xf32, #tpu.memory_space<vmem>>, %arg3: memref<2000x1xf32, #tpu.memory_space<vmem>>, %arg4: memref<2x2x2000x32xf32, #tpu.memory_space<vmem>>, %arg5: memref<2000x32xf32, #tpu.memory_space<vmem>>) attributes {dimension_semantics = [#tpu.dimension_semantics<arbitrary>], iteration_bounds = array<i64: 5>, scalar_prefetch = 0 : i64, scratch_operands = 0 : i64, tpu.core_type = #tpu.core_type<tc>, window_params = [{transform_indices = @transform_0, window_bounds = array<i64: 2000, 32>}, {transform_indices = @transform_1, window_bounds = array<i64: 2000, 32>}, {transform_indices = @transform_2, window_bounds = array<i64: 2000, 1>}, {transform_indices = @transform_3, window_bounds = array<i64: 2, 2, 2000, 32>}, {transform_indices = @transform_4, window_bounds = array<i64: 2000, 32>}]} {
    %get3A = arith.constant 0 : index
    %get3A_0 = arith.constant 0 : index
    %get3A_1 = arith.constant 0 : index
    %get3A_2 = arith.constant 0 : index
    %get3A_3 = vector.load %arg4[%get3A, %get3A_0, %get3A_1, %get3A_2] : memref<2x2x2000x32xf32, #tpu.memory_space<vmem>>, vector<1x1x2000x32xf32>
    %get3A_4 = vector.shape_cast %get3A_3 : vector<1x1x2000x32xf32> to vector<2000x32xf32>
    %get3A_5 = arith.constant 1 : index
    %get3A_6 = arith.constant 0 : index
    %get3A_7 = arith.constant 0 : index
    %get3A_8 = arith.constant 0 : index
    %get3A_9 = vector.load %arg4[%get3A_5, %get3A_6, %get3A_7, %get3A_8] : memref<2x2x2000x32xf32, #tpu.memory_space<vmem>>, vector<1x1x2000x32xf32>
    %get3A_10 = vector.shape_cast %get3A_9 : vector<1x1x2000x32xf32> to vector<2000x32xf32>
    %add3A = arith.addf %get3A_4, %get3A_10 : vector<2000x32xf32>
    %get3A_11 = arith.constant 0 : index
    %get3A_12 = arith.constant 1 : index
    %get3A_13 = arith.constant 0 : index
    %get3A_14 = arith.constant 0 : index
    %get3A_15 = vector.load %arg4[%get3A_11, %get3A_12, %get3A_13, %get3A_14] : memref<2x2x2000x32xf32, #tpu.memory_space<vmem>>, vector<1x1x2000x32xf32>
    %get3A_16 = vector.shape_cast %get3A_15 : vector<1x1x2000x32xf32> to vector<2000x32xf32>
    %sub3A = arith.subf %add3A, %get3A_16 : vector<2000x32xf32>
    %get3A_17 = arith.constant 1 : index
    %get3A_18 = arith.constant 1 : index
    %get3A_19 = arith.constant 0 : index
    %get3A_20 = arith.constant 0 : index
    %get3A_21 = vector.load %arg4[%get3A_17, %get3A_18, %get3A_19, %get3A_20] : memref<2x2x2000x32xf32, #tpu.memory_space<vmem>>, vector<1x1x2000x32xf32>
    %get3A_22 = vector.shape_cast %get3A_21 : vector<1x1x2000x32xf32> to vector<2000x32xf32>
    %sub3A_23 = arith.subf %sub3A, %get3A_22 : vector<2000x32xf32>
    %get3A_24 = arith.constant 0 : index
    %get3A_25 = arith.constant 0 : index
    %get3A_26 = vector.load %arg2[%get3A_24, %get3A_25] : memref<2000x32xf32, #tpu.memory_space<vmem>>, vector<2000x32xf32>
    %add3A_27 = arith.addf %get3A_26, %sub3A_23 : vector<2000x32xf32>
    %neg3A = arith.constant 0.000000e+00 : f32
    %neg3A_28 = vector.broadcast %neg3A : f32 to vector<2000x32xf32>
    %neg3A_29 = arith.subf %neg3A_28, %add3A_27 : vector<2000x32xf32>
    %get3A_30 = arith.constant 0 : index
    %get3A_31 = arith.constant 0 : index
    %get3A_32 = vector.load %arg3[%get3A_30, %get3A_31] : memref<2000x1xf32, #tpu.memory_space<vmem>>, vector<2000x1xf32>
    %get3A_33 = arith.constant 0 : index
    %get3A_34 = arith.constant 0 : index
    %get3A_35 = vector.load %arg1[%get3A_33, %get3A_34] : memref<2000x32xf32, #tpu.memory_space<vmem>>, vector<2000x32xf32>
    %mul3A = vector.broadcast %get3A_32 : vector<2000x1xf32> to vector<2000x32xf32>
    %mul3A_36 = arith.mulf %mul3A, %get3A_35 : vector<2000x32xf32>
    %sub3A_37 = arith.subf %neg3A_29, %mul3A_36 : vector<2000x32xf32>
    %get3A_38 = arith.constant 0 : index
    %get3A_39 = arith.constant 0 : index
    %get3A_40 = vector.load %arg1[%get3A_38, %get3A_39] : memref<2000x32xf32, #tpu.memory_space<vmem>>, vector<2000x32xf32>
    %mul3A_41 = arith.constant 2.500000e-01 : f32
    %mul3A_42 = vector.broadcast %mul3A_41 : f32 to vector<2000x32xf32>
    %mul3A_43 = arith.mulf %mul3A_42, %sub3A_37 : vector<2000x32xf32>
    %add3A_44 = arith.addf %get3A_40, %mul3A_43 : vector<2000x32xf32>
    %swap3A = arith.constant 0 : index
    %swap3A_45 = arith.constant 0 : index
    %swap3A_46 = vector.load %arg5[%swap3A, %swap3A_45] : memref<2000x32xf32, #tpu.memory_space<vmem>>, vector<2000x32xf32>
    tpu.vector_store %arg5[%swap3A, %swap3A_45], %add3A_44 {strides = array<i32>} : memref<2000x32xf32, #tpu.memory_space<vmem>>, vector<2000x32xf32>,
    return
  }
  func.func @transform_0(%arg0: i32) -> (i32, i32) {
    %c0_i32 = arith.constant 0 : i32
    %c0_i32_0 = arith.constant 0 : i32
    return %arg0, %c0_i32 : i32, i32
  }
  func.func @transform_1(%arg0: i32) -> (i32, i32) {
    %c0_i32 = arith.constant 0 : i32
    %c0_i32_0 = arith.constant 0 : i32
    return %arg0, %c0_i32 : i32, i32
  }
  func.func @transform_2(%arg0: i32) -> (i32, i32) {
    %c0_i32 = arith.constant 0 : i32
    %c0_i32_0 = arith.constant 0 : i32
    return %arg0, %c0_i32 : i32, i32
  }
  func.func @transform_3(%arg0: i32) -> (i32, i32, i32, i32) {
    %c0_i32 = arith.constant 0 : i32
    %c0_i32_0 = arith.constant 0 : i32
    %c0_i32_1 = arith.constant 0 : i32
    %c0_i32_2 = arith.constant 0 : i32
    return %c0_i32, %c0_i32_0, %arg0, %c0_i32_1 : i32, i32, i32, i32
  }
  func.func @transform_4(%arg0: i32) -> (i32, i32) {
    %c0_i32 = arith.constant 0 : i32
    %c0_i32_0 = arith.constant 0 : i32
    return %arg0, %c0_i32 : i32, i32
  }
}

</mosaic_0001>

<sc_bundles>
// kernel: kernel.6.cloned.1.call-start
scs
__scs_entry_jumppad:
0x0: {  	(pc) =	sbr.rel $0x88, $3  }
0x1: {  	(tag) =	ssettag $0x0;
	lr =	simm.s32 $0x1  }
0x2: {  	[smem:$0x3F95] =	sst lr;
	_ =	strace $0xD0000000  }
0x3: {  	_ = 	snop  }
0x4: {  	_ = 	snop  }
0x5: {  	_ = 	snop  }
0x6: {  	_ = 	snop  }
0x7: {  	_ = 	snop  }
__scs_overlays_trampoline_lowered:
0x8: {  	[smem:$0x3FA4] =	sst s0  }
0x9: {  	[smem:$0x3FA5] =	sst s1  }
0xa: {  	[smem:$0x3FA6] =	sst s2  }
0xb: {  	[smem:$0x3FA7] =	sst s3  }
0xc: {  	[smem:$0x3FA8] =	sst s4  }
0xd: {  	[smem:$0x3FA9] =	sst s5  }
0xe: {  	[smem:$0x3FAA] =	sst s6  }
0xf: {  	[smem:$0x3FAB] =	sst s7  }
0x10: {  	[smem:$0x3FAC] =	sst s8  }
0x11: {  	[smem:$0x3FAD] =	sst s9;
	s0 =	simm.s32 @!p0 $0x0  }
0x12: {  	s1 =	sld [smem:$0x3F93];
	s0 =	simm.s32 @p0 $0x1  }
0x13: {  	[smem:$0x3FAE] =	sst s0;
	s0 =	simm.s32 @!p1 $0x0  }
0x14: {  	s2 =	sld [smem:$0x3F92];
	s0 =	simm.s32 @p1 $0x1  }
0x15: {  	[smem:$0x3FAF] =	sst s0;
	s0 =	simm.s32 @!p2 $0x0  }
0x16: {  	s3 =	sld [smem:$0x3FDB];
	s0 =	simm.s32 @p2 $0x1  }
0x17: {  	s4 =	simm.s32 $0x1BF5;
	[smem:$0x3FB1] =	sst s0  }
0x18: {  	s0 =	sld [smem:$0x3F94];
	_ =	swait.ge [sflag:s4], $0x0  }
0x19: {  	s7 =	sld [smem:$0x3F95]  }
0x1a: {  	s8 =	sadd.s32 $0xFFFFE003, lr  }
0x1b: {  	s9 =	sadd.s32 $0xFFFFFEF7, lr;
	s5 =	simm.s32 $0xFFFFFFFF;
	p2 =	slt.u32 s8, $0xFFFFF086  }
0x1c: {  	p1 =	slt.u32 s9, $0xF7A;
	s5 =	simm.s32 @!p2 $0x0  }
0x1d: {  	s5 =	simm.s32 @p1 $0x1;
	p0 =	seq.s32 s7, s2  }
0x1e: {  	s7 =	smul.u32 @!p0 $0xF7A, s2;
	p2 =	seq.s32 @!p0 s5, $0x0  }
0x1f: {  	s9 =	smul.u32 $0xF7A, s1;
	s8 =	simm.s32 @!p0 $0x1BF5;
	p2 =	por !p2, p0  }
0x20: {  	[sflag:s8] =	ssyncset.s32 @!p0 $0xFFFFF086;
	s6 =	sadd.s32 @!p0 s3, s7;
	s7 =	simm.s32 @!p0 $0x108  }
0x21: {  	s3 =	sadd.s32 s3, s9;
	s6 =	sadd.s32 @!p0 $0x88, s6;
	s7 =	simm.s32 @p2 $0x1082  }
0x22: {  	[simem:s7], [sflag:s8] =	dma.local @!p0 [hbm:s6], $0xF7A  }
0x23: {  	s9 =	sor.u32 $0xD0000000, s2;
	s6 =	simm.s32 $0x108;
	_ =	swait.ge @!p0 [sflag:s8], $0x0  }
0x24: {  	s3 =	sadd.s32 $0x88, s3;
	s6 =	simm.s32 @!p1 $0x1082;
	[sflag:s4] =	ssyncset.s32 $0xFFFFF086  }
0x25: {  	[simem:s6], [sflag:s4] =	dma.local [hbm:s3], $0xF7A  }
0x26: {  	[smem:$0x3F95] =	sst s1;
	(tag) =	ssettag s2;
	_ =	strace s9  }
0x27: {  	s1 =	sld [smem:$0x3FA5]  }
0x28: {  	s2 =	sld [smem:$0x3FA6]  }
0x29: {  	s4 =	sld [smem:$0x3FA8]  }
0x2a: {  	p0 =	seq.s32 s5, $0x0;
	s5 =	sld [smem:$0x3FA9]  }
0x2b: {  	s6 =	sld [smem:$0x3FAA]  }
0x2c: {  	s7 =	sld [smem:$0x3FAB]  }
0x2d: {  	s3 =	simm.s32 $0x108;
	s8 =	sld [smem:$0x3FAC]  }
0x2e: {  	s3 =	simm.s32 @!p0 $0x1082;
	s9 =	sld [smem:$0x3FAD]  }
0x2f: {  	lr =	sadd.s32 s0, s3;
	s0 =	sld [smem:$0x3FA4]  }
0x30: {  	s3 =	sld [smem:$0x3FA7]  }
0x31: {  	[smem:$0x3FB0] =	sst s10  }
0x32: {  	s10 =	sld [smem:$0x3FAE];
	_ =	sdelay $0x3  }
0x33: {  	p0 =	seq.s32 s10, $0x1;
	s10 =	sld [smem:$0x3FB0];
	_ =	sdelay $0x3  }
0x34: {  	[smem:$0x3FB0] =	sst s10  }
0x35: {  	s10 =	sld [smem:$0x3FAF];
	_ =	sdelay $0x3  }
0x36: {  	p1 =	seq.s32 s10, $0x1;
	s10 =	sld [smem:$0x3FB0];
	_ =	sdelay $0x3  }
0x37: {  	[smem:$0x3FB0] =	sst s10  }
0x38: {  	s10 =	sld [smem:$0x3FB1]  }
0x39: {  	_ = 	snop;
	(pc) =	sbr.ind lr, $3  }
0x3a: {  	_ = 	snop  }
0x3b: {  	_ = 	snop  }
0x3c: {  	p2 =	seq.s32 s10, $0x1;
	s10 =	sld [smem:$0x3FB0]  }
0x3d: {  	_ =	shalt  }
0x3e: {  	_ =	shalt  }
0x3f: {  	_ =	shalt  }
0x40: {  	_ =	shalt  }
0x41: {  	_ =	shalt  }
0x42: {  	_ =	shalt  }
0x43: {  	_ =	shalt  }
0x44: {  	_ =	shalt  }
0x45: {  	_ =	shalt  }
0x46: {  	_ =	shalt  }
0x47: {  	_ =	shalt  }
0x48: {  	_ =	shalt  }
0x49: {  	_ =	shalt  }
0x4a: {  	_ =	shalt  }
0x4b: {  	_ =	shalt  }
0x4c: {  	_ =	shalt  }
0x4d: {  	_ =	shalt  }
0x4e: {  	_ =	shalt  }
0x4f: {  	_ =	shalt  }
0x50: {  	_ =	shalt  }
0x51: {  	_ =	shalt  }
0x52: {  	_ =	shalt  }
0x53: {  	_ =	shalt  }
0x54: {  	_ =	shalt  }
0x55: {  	_ =	shalt  }
0x56: {  	_ =	shalt  }
0x57: {  	_ =	shalt  }
0x58: {  	_ =	shalt  }
0x59: {  	_ =	shalt  }
0x5a: {  	_ =	shalt  }
0x5b: {  	_ =	shalt  }
0x5c: {  	_ =	shalt  }
0x5d: {  	_ =	shalt  }
0x5e: {  	_ =	shalt  }
0x5f: {  	_ =	shalt  }
0x60: {  	_ =	shalt  }
0x61: {  	_ =	shalt  }
0x62: {  	_ =	shalt  }
0x63: {  	_ =	shalt  }
0x64: {  	_ =	shalt  }
0x65: {  	_ =	shalt  }
0x66: {  	_ =	shalt  }
0x67: {  	_ =	shalt  }
0x68: {  	_ =	shalt  }
0x69: {  	_ =	shalt  }
0x6a: {  	_ =	shalt  }
0x6b: {  	_ =	shalt  }
0x6c: {  	_ =	shalt  }
0x6d: {  	_ =	shalt  }
0x6e: {  	_ =	shalt  }
0x6f: {  	_ =	shalt  }
0x70: {  	_ =	shalt  }
0x71: {  	_ =	shalt  }
0x72: {  	_ =	shalt  }
0x73: {  	_ =	shalt  }
0x74: {  	_ =	shalt  }
0x75: {  	_ =	shalt  }
0x76: {  	_ =	shalt  }
0x77: {  	_ =	shalt  }
0x78: {  	_ =	shalt  }
0x79: {  	_ =	shalt  }
0x7a: {  	_ =	shalt  }
0x7b: {  	_ =	shalt  }
0x7c: {  	_ =	shalt  }
0x7d: {  	_ =	shalt  }
0x7e: {  	_ =	shalt  }
0x7f: {  	_ =	shalt  }
0x80: {  	_ =	shalt  }
0x81: {  	_ =	shalt  }
0x82: {  	_ =	shalt  }
0x83: {  	_ =	shalt  }
0x84: {  	_ =	shalt  }
0x85: {  	_ =	shalt  }
0x86: {  	_ =	shalt  }
0x87: {  	_ =	shalt  }
.Lfunc_end0:
.L_simem_size_0:
called_computation_lowered:
.L_overlay_start_0:
0x88: {  	s2 =	sld [smem:$0x3FD9]  }
0x89: {  	s3 =	sld [smem:$0x3FFE];
	_ =	sdelay $0x1  }
0x8a: {  	s1 =	srdreg.scid  }
0x8b: {  	s0 =	sand.u32 $0x1, s1  }
0x8c: {  	s14 =	sshll.u32 s0, $0xA;
	s2 =	sadd.s32 s3, s2  }
0x8d: {  	s2 =	sadd.s32 s2, s14  }
0x8e: {  	[smem:$0x3FBC] =	sst s2  }
0x8f: {  	_ = 	snop  }
0x90: {  	s2 =	sld [smem:$0x3FD0];
	_ =	sdelay $0x2  }
0x91: {  	s15 =	simm.s32 $0xA;
	s4 =	simm.s32 $0x10  }
0x92: {  	[smem:s4], [sflag:s15] =	dma.local [hbm:s2], $0x1  }
0x93: {  	_ =	swait.eq [sflag:s15], $0x1  }
0x94: {  	[sflag:s15] =	ssyncset.done $0x0  }
0x95: {  	[sflag:s15] =	ssyncadd.s32 $0xFFFFFFFF  }
0x96: {  	s16 =	sld [smem:$0x10];
	(tm) =	ssettm $0x1  }
0x97: {  	s17 =	sld [smem:$0x3FFB];
	_ =	sdelay $0x3  }
0x98: {  	_ =	strace s17  }
0x99: {  	s3 =	sld [smem:$0x3FFC];
	_ =	sdelay $0x3  }
0x9a: {  	_ =	strace s3  }
0x9b: {  	s3 =	sld [smem:$0x3FFD];
	_ =	sdelay $0x3  }
0x9c: {  	_ =	strace s3  }
0x9d: {  	_ =	strace $0x8FFFFFFF  }
0x9e: {  	s18 =	sld [smem:$0x3FDB];
	_ =	sdelay $0x1  }
0x9f: {  	s19 =	simm.s32 $_scs_section_size  }
0xa0: {  	s5 =	simm.s32 $_size__tile_overlayer_lowered;
	s6 =	simm.s32 $_tile_overlayer_lowered  }
0xa1: {  	s22 =	simm.s32 $0x1BFF;
	s21 =	sshll.u32 s6, $0x1;
	s3 =	sadd.s32 s19, s18  }
0xa2: {  	s7 =	simm.s32 $0x0;
	s20 =	sshll.u32 s5, $0x1;
	s5 =	sadd.s32 s21, s3  }
0xa3: {  	[timem:s7], [sflag:s22] =	dma.local [hbm:s5], s20  }
0xa4: {  	_ =	swait.ge [sflag:s22], s20  }
0xa5: {  	s4 =	ssub.s32 $0x0, s20;
	[sflag:s22] =	ssyncset.done $0x0  }
0xa6: {  	[sflag:s22] =	ssyncadd.s32 s4;
	_ =	sdelay $0x1  }
0xa7: {  	s23 =	simm.s32 $0x1B8B  }
0xa8: {  	_ =	swait.ge [sflag:s23], $0x1  }
0xa9: {  	[sflag:s23] =	ssyncset.done $0x0  }
0xaa: {  	s25 =	simm.s32 $0x1B8E;
	s24 =	sld [smem:$0x3FFE];
	[sflag:s23] =	ssyncadd.s32 $0xFFFFFFFF  }
0xab: {  	s26 =	simm.s32 $execute0_lowered;
	[smem:$0x3FD2] =	sst s25  }
0xac: {  	s5 =	sshll.u32 s26, $0x1;
	_ =	strace $0x80000046;
	[dreg:$0x1] =	wrdreg $0xFFFFFFFF  }
0xad: {  	s28 =	simm.s32 $_size_execute0_lowered;
	s3 =	sadd.s32 s3, s5;
	[dreg:$0x0] =	wrdreg $0x0  }
0xae: {  	s5 =	sshll.u32 s28, $0x1;
	[dreg:$0x2] =	wrdreg s3  }
0xaf: {  	[dreg:$0x3] =	wrdreg s5  }
0xb0: {  	[dreg:$0x4] =	wrdreg $0xC0  }
0xb1: {  	_ =	task [dreg:s7], $0x5FFFF  }
0xb2: {  	[dreg:$0x1] =	wrdreg $0xFFFFFFFF  }
0xb3: {  	[dreg:$0x0] =	wrdreg $0x60  }
0xb4: {  	[dreg:$0x2] =	wrdreg s16  }
0xb5: {  	[dreg:$0x3] =	wrdreg s24  }
0xb6: {  	[dreg:$0x4] =	wrdreg $0xCC000  }
0xb7: {  	[dreg:$0x5] =	wrdreg $0x11C000  }
0xb8: {  	[dreg:$0x6] =	wrdreg $0x9  }
0xb9: {  	_ =	task.clear_ibuf [dreg:s7], $0x7FFFF;
	_ =	strace $0x90000046  }
0xba: {  	s29 =	simm.s32 $0x9;
	_ =	strace $0x80000048  }
0xbb: {  	_ =	swait.ge [sflag:s29], $0x1  }
0xbc: {  	[sflag:s29] =	ssyncadd.s32 $0xFFFFFFFF  }
0xbd: {  	_ =	strace $0x90000048  }
0xbe: {  	_ =	sfence  }
0xbf: {  	s30 =	sld [smem:$0x0];
	_ =	sdelay $0x2  }
0xc0: {  	s31 =	sshll.u32 s1, $0xD;
	s1 =	sshrl.u32 s1, $0x2  }
0xc1: {  	s3 =	sand.u32 $0x4000, s31;
	s1 =	sadd.s32 s1, s30  }
0xc2: {  	s0 =	sor.u32 s3, s0;
	s1 =	sshll.u32 s1, $0x11  }
0xc3: {  	s0 =	sor.u32 s1, s0  }
0xc4: {  	s0 =	sadd.s32 $0x8F2B, s0  }
0xc5: {  	[sflag:s0] =	ssyncadd.remote.s32 $0x1  }
0xc6: {  	_ =	sfence.sel $0xFFFF  }
0xc7: {  	[dreg:$0x0] =	wrdreg $0xFFFFFFFF;
	(pc) =	sbr.abs _section_cstart, $3  }
0xc8: {  	[dreg:$0x1] =	wrdreg $0xFFFFFFFF  }
0xc9: {  	_ =	task.clear_ibuf [dreg:s7], $0x2FFFF;
	_ =	strace $0x9FFFFFFF  }
0xca: {  	(tm) =	ssettm $0x7FFFFFFF  }
0xcb: {  	_ =	shalt  }
tec
execute0_lowered:
.L_overlay_start_1:
0x0: {  	(tag) =	ssettag $0x1  }
0x1: {  	s1 =	rddreg [dreg:$0x0]  }
0x2: {  	s6 =	rddreg [dreg:$0x1]  }
0x3: {  	s0 =	srdreg.scid;
	s3 =	rddreg [dreg:$0x2]  }
0x4: {  	s14 =	stileid.u32;
	s4 =	rddreg [dreg:$0x3]  }
0x5: {  	s5 =	simm.s32 $0x0;
	s13 =	simm.s32 $0x4;
	s18 =	simm.s32 $0x80  }
0x6: {  	s22 =	simm.s32 $0x1;
	s23 =	simm.s32 $0x2;
	s24 =	simm.s32 $0x3  }
0x7: {  	s25 =	simm.s32 $0x0;
	s0 =	sand.u32 $0x1, s0;
	s2 =	sshll.u32 s14, $0x1  }
0x8: {  	s10 =	smul.u32 $0x5000, s14;
	[smem:$0x7FF] =	sst s5;
	s31 =	sshll.u32 s14, $0x6  }
0x9: {  	s14 =	simm.s32 $0x1400;
	s2 =	sor.u32 s0, s2;
	s7 =	smul.u32 $0xA0000, s0  }
0xa: {  	_ =	strace $0x80000047;
	s0 =	ssub.s32 $0x2, s0;
	s15 =	sor.u32 $0x1C04, s31  }
0xb: {  	s2 =	smul.u32 $0x280, s2;
	s8 =	sshrl.u32 s10, $0x3;
	s28 =	sshrl.u32 s0, $0x1  }
0xc: {  	s30 =	sadd.s32 s10, s3;
	s17 =	sadd.s32 s10, s4;
	s7 =	sadd.s32 s10, s7  }
0xd: {  	s9 =	sadd.s32 s8, s6;
	s0 =	ssub.s32 s0, s28;
	s16 =	sshrl.u32 s30, $0x3  }
0xe: {  	s17 =	sshrl.u32 s17, $0x3;
	s2 =	sadd.s32 s2, s6;
	s7 =	sshrl.u32 s7, $0x3  }
0xf: {  	s9 =	sadd.s32 $0x37200, s9;
	s12 =	smax.u32 s0, $0x1;
	s11 =	sadd.s32 s7, s6  }
0x10: {  	s29 =	sadd.s32 $0x6000, s2;
	s7 =	sadd.s32 $0x1000, s2;
	s8 =	sadd.s32 $0x32200, s2  }
0x11: {  	[dreg:$0x5] =	wrdreg s29;
	s10 =	sadd.s32 $0x41200, s11;
	s11 =	sadd.s32 $0x4B200, s11  }
.LBB2_1:
0x12: {  	s0 =	rddreg [dreg:$0x5]  }
0x13: {  	[tilespmem:s5], [sflag:$0x4] =	stream.linear.gather [hbm4b:s0+s5], $0x1400, $0x38;
	[tilespmem:$0x16C00] =	vst v63  }
0x14: {  	_ =	swait.ge [sflag:s13], $0x1400  }
0x15: {  	[sflag:s13] =	ssyncset.done $0x0  }
0x16: {  	[sflag:s13] =	ssyncadd.s32 $0xFFFFEC00  }
0x17: {  	[tilespmem:s14], [sflag:$0x4] =	stream.linear.gather [hbm4b:s7+s5], $0x1400, $0x38;
	[tilespmem:$0x16C00] =	vst v63  }
0x18: {  	_ =	swait.ge [sflag:s13], $0x1400  }
0x19: {  	[sflag:s13] =	ssyncset.done $0x0  }
0x1a: {  	s19 =	simm.s32 $0x2800;
	[sflag:s13] =	ssyncadd.s32 $0xFFFFEC00  }
0x1b: {  	[tilespmem:s19], [sflag:$0x4] =	stream.linear.gather [hbm4b:s8+s5], $0x1400, $0x38;
	[tilespmem:$0x16C00] =	vst v63  }
0x1c: {  	_ =	swait.ge [sflag:s13], $0x1400  }
0x1d: {  	[sflag:s13] =	ssyncset.done $0x0  }
0x1e: {  	[sflag:s13] =	ssyncadd.s32 $0xFFFFEC00  }
0x1f: {  	[spmem:s16], [sflag:s15] =	dma.local [hbm:s9], $0xA00  }
0x20: {  	_ =	swait.ge [sflag:s13], $0xA00  }
0x21: {  	[sflag:s13] =	ssyncset.done $0x0  }
0x22: {  	[sflag:s13] =	ssyncadd.s32 $0xFFFFF600  }
0x23: {  	[spmem:s17], [sflag:s15] =	dma.local [hbm:s9], $0xA00  }
0x24: {  	_ =	swait.ge [sflag:s13], $0xA00  }
0x25: {  	[sflag:s13] =	ssyncset.done $0x0  }
0x26: {  	[sflag:s13] =	ssyncadd.s32 $0xFFFFF600  }
0x27: {  	s28 =	simm.s32 $0x3C00;
	[bflag:$0x0] =	sbarrier.arrive $0xFFFF  }
0x28: {  	[tilespmem:s28], [sflag:$0x1] =	stream.indirect.gather [hbm4b:s1+s18], $0x20, s5, s18, $0xb8;
	[tilespmem:$0x16C00] =	vst v63  }
0x29: {  	s29 =	simm.s32 $0x6C00  }
0x2a: {  	[tilespmem:s29], [sflag:$0x2] =	stream.indirect.gather [hbm4b:s1+s18], $0x20, s14, s18, $0xb8;
	[tilespmem:$0x16C00] =	vst v63  }
0x2b: {  	s21 =	simm.s32 $0x4C00;
	s26 =	simm.s32 $0x1480  }
0x2c: {  	[tilespmem:s21], [sflag:$0x1] =	stream.indirect.gather [hbm4b:s1+s18], $0x20, s18, s18, $0xb8;
	[tilespmem:$0x16C00] =	vst v63  }
0x2d: {  	s2 =	simm.s32 $0x7C00;
	s30 =	simm.s32 $0x9C00;
	s31 =	simm.s32 $0x0  }
0x2e: {  	[tilespmem:s2], [sflag:$0x2] =	stream.indirect.gather [hbm4b:s1+s18], $0x20, s26, s18, $0xb8;
	[tilespmem:$0x16C00] =	vst v63  }
.LBB2_2:
0x2f: {  	p0 =	sgt.u32 s31, $0x25  }
0x30: {  	s0 =	sadd.s32 @!p0 $0x2, s31  }
0x31: {  	s2 =	smul.u32 @!p0 $0xAB, s0;
	_ =	sdelay $0x1  }
0x32: {  	s2 =	sshrl.u32 @!p0 s2, $0x9  }
0x33: {  	s2 =	sand.u32 @!p0 $0x7F, s2  }
0x34: {  	s2 =	smul.u32 @!p0 $0x3, s2;
	_ =	sdelay $0x1  }
0x35: {  	s2 =	ssub.s32 @!p0 s0, s2  }
0x36: {  	s2 =	sand.u32 @!p0 $0xFF, s2  }
0x37: {  	s2 =	sshll.u32 @!p0 s2, $0xC  }
0x38: {  	s26 =	simm.s32 @!p0 $0x80;
	s0 =	sshll.u32 @!p0 s0, $0x7;
	s20 =	sadd.s32 @!p0 $0x3C00, s2  }
0x39: {  	[tilespmem:s20], [sflag:$0x1] =	stream.indirect.gather @!p0 [hbm4b:s1+s26], $0x20, s0, s26, $0xb8;
	[tilespmem:$0x16C00] =	vst v63  }
0x3a: {  	s2 =	sadd.s32 @!p0 $0x6C00, s2;
	s0 =	sadd.s32 @!p0 $0x1400, s0  }
0x3b: {  	[tilespmem:s2], [sflag:$0x2] =	stream.indirect.gather @!p0 [hbm4b:s1+s26], $0x20, s0, s26, $0xb8;
	[tilespmem:$0x16C00] =	vst v63  }
0x3c: {  	_ =	swait.ge [sflag:s22], $0x1000  }
0x3d: {  	s21 =	smulhi.u32 $0xAAAAAAAB, s31;
	[sflag:s22] =	ssyncset.done $0x0  }
0x3e: {  	[sflag:s22] =	ssyncadd.s32 $0xFFFFF000  }
0x3f: {  	s26 =	smul.u32 $0xAB, s31;
	s0 =	sshrl.u32 s21, $0x1;
	_ =	swait.ge [sflag:s23], $0x1000  }
0x40: {  	p0 =	slt.u32 s31, $0x3;
	s0 =	smul.u32 $0xFFFF4000, s0;
	[sflag:s23] =	ssyncset.done $0x0  }
0x41: {  	s20 =	simm.s32 @!p0 $0x3;
	[sflag:s23] =	ssyncadd.s32 $0xFFFFF000  }
0x42: {  	s2 =	sshrl.u32 s26, $0x9;
	s0 =	sshra.s32 s0, $0x2;
	_ =	swait.ge @!p0 [sflag:s20], $0x1000  }
0x43: {  	s2 =	sand.u32 $0x7F, s2;
	s26 =	sadd.s32 s0, s28;
	[sflag:s20] =	ssyncset.done @!p0 $0x0  }
0x44: {  	s2 =	smul.u32 $0x3, s2;
	s6 =	sadd.s32 s0, s29;
	v0 =	vmov s26;
	[sflag:s20] =	ssyncadd.s32 @!p0 $0xFFFFF000  }
0x45: {  	s21 =	sadd.s32 s0, s30;
	v1 =	vmov s6;
	_ =	swait.ge @!p0 [sflag:s20], $0x1000  }
0x46: {  	s0 =	simm.s32 $0x0;
	s2 =	ssub.s32 s31, s2;
	[sflag:s20] =	ssyncset.done @!p0 $0x0  }
0x47: {  	v2 =	vmov s21;
	s26 =	smov.u32 s19;
	s2 =	sand.u32 $0xFF, s2;
	[sflag:s20] =	ssyncadd.s32 @!p0 $0xFFFFF000  }
.LBB2_3:
0x48: {  	v3 =	vld [tilespmem:s26+$0x0];
	s20 =	sshra.s32 s0, $0x2  }
0x49: {  	v4 =	vld.idx.msk [tilespmem:v0+s20+$0x0 ss:$0x1], $0xffff  }
0x4a: {  	v5 =	vld.idx.msk [tilespmem:v1+s20+$0x0 ss:$0x1], $0xffff;
	_ =	sdelay $0x4  }
0x4b: {  	v19 =	vbroadcast v3, $0x0;
	v4 =	vsub.f32 v4, v5;
	_ =	sdelay $0x1  }
0x4c: {  	v4 =	vmul.f32 v4, v19;
	_ =	sdelay $0x1  }
0x4d: {  	[tilespmem:v2+s20+$0x0 ss:$0x1] =	vst.idx.msk $0xffff, v4  }
0x4e: {  	v4 =	vld.idx.msk [tilespmem:v0+s20+$0x10 ss:$0x1], $0xffff  }
0x4f: {  	v6 =	vld.idx.msk [tilespmem:v1+s20+$0x10 ss:$0x1], $0xffff;
	_ =	sdelay $0x4  }
0x50: {  	v4 =	vsub.f32 v4, v6;
	_ =	sdelay $0x1  }
0x51: {  	v4 =	vmul.f32 v4, v19;
	_ =	sdelay $0x1  }
0x52: {  	[tilespmem:v2+s20+$0x10 ss:$0x1] =	vst.idx.msk $0xffff, v4  }
0x53: {  	v4 =	vld.idx.msk [tilespmem:v0+s20+$0x20 ss:$0x1], $0xffff  }
0x54: {  	v20 =	vld.idx.msk [tilespmem:v1+s20+$0x20 ss:$0x1], $0xffff;
	_ =	sdelay $0x4  }
0x55: {  	v21 =	vbroadcast v3, $0x1;
	v4 =	vsub.f32 v4, v20;
	_ =	sdelay $0x1  }
0x56: {  	v4 =	vmul.f32 v4, v21;
	_ =	sdelay $0x1  }
0x57: {  	[tilespmem:v2+s20+$0x20 ss:$0x1] =	vst.idx.msk $0xffff, v4  }
0x58: {  	v4 =	vld.idx.msk [tilespmem:v0+s20+$0x30 ss:$0x1], $0xffff  }
0x59: {  	v22 =	vld.idx.msk [tilespmem:v1+s20+$0x30 ss:$0x1], $0xffff;
	_ =	sdelay $0x4  }
0x5a: {  	v4 =	vsub.f32 v4, v22;
	_ =	sdelay $0x1  }
0x5b: {  	v4 =	vmul.f32 v4, v21;
	_ =	sdelay $0x1  }
0x5c: {  	[tilespmem:v2+s20+$0x30 ss:$0x1] =	vst.idx.msk $0xffff, v4  }
0x5d: {  	v4 =	vld.idx.msk [tilespmem:v0+s20+$0x40 ss:$0x1], $0xffff  }
0x5e: {  	v23 =	vld.idx.msk [tilespmem:v1+s20+$0x40 ss:$0x1], $0xffff;
	_ =	sdelay $0x4  }
0x5f: {  	v24 =	vbroadcast v3, $0x2;
	v4 =	vsub.f32 v4, v23;
	_ =	sdelay $0x1  }
0x60: {  	v4 =	vmul.f32 v4, v24;
	_ =	sdelay $0x1  }
0x61: {  	[tilespmem:v2+s20+$0x40 ss:$0x1] =	vst.idx.msk $0xffff, v4  }
0x62: {  	v4 =	vld.idx.msk [tilespmem:v0+s20+$0x50 ss:$0x1], $0xffff  }
0x63: {  	v25 =	vld.idx.msk [tilespmem:v1+s20+$0x50 ss:$0x1], $0xffff;
	_ =	sdelay $0x4  }
0x64: {  	v4 =	vsub.f32 v4, v25;
	_ =	sdelay $0x1  }
0x65: {  	v4 =	vmul.f32 v4, v24;
	_ =	sdelay $0x1  }
0x66: {  	[tilespmem:v2+s20+$0x50 ss:$0x1] =	vst.idx.msk $0xffff, v4  }
0x67: {  	v4 =	vld.idx.msk [tilespmem:v0+s20+$0x60 ss:$0x1], $0xffff  }
0x68: {  	v26 =	vld.idx.msk [tilespmem:v1+s20+$0x60 ss:$0x1], $0xffff;
	_ =	sdelay $0x4  }
0x69: {  	v27 =	vbroadcast v3, $0x3;
	v4 =	vsub.f32 v4, v26;
	_ =	sdelay $0x1  }
0x6a: {  	v4 =	vmul.f32 v4, v27;
	_ =	sdelay $0x1  }
0x6b: {  	[tilespmem:v2+s20+$0x60 ss:$0x1] =	vst.idx.msk $0xffff, v4  }
0x6c: {  	v4 =	vld.idx.msk [tilespmem:v0+s20+$0x70 ss:$0x1], $0xffff  }
0x6d: {  	v28 =	vld.idx.msk [tilespmem:v1+s20+$0x70 ss:$0x1], $0xffff;
	_ =	sdelay $0x4  }
0x6e: {  	v4 =	vsub.f32 v4, v28;
	_ =	sdelay $0x1  }
0x6f: {  	v4 =	vmul.f32 v4, v27;
	_ =	sdelay $0x1  }
0x70: {  	[tilespmem:v2+s20+$0x70 ss:$0x1] =	vst.idx.msk $0xffff, v4  }
0x71: {  	v4 =	vld.idx.msk [tilespmem:v0+s20+$0x80 ss:$0x1], $0xffff  }
0x72: {  	v29 =	vld.idx.msk [tilespmem:v1+s20+$0x80 ss:$0x1], $0xffff;
	_ =	sdelay $0x4  }
0x73: {  	v30 =	vbroadcast v3, $0x4;
	v4 =	vsub.f32 v4, v29;
	_ =	sdelay $0x1  }
0x74: {  	v4 =	vmul.f32 v4, v30;
	_ =	sdelay $0x1  }
0x75: {  	[tilespmem:v2+s20+$0x80 ss:$0x1] =	vst.idx.msk $0xffff, v4  }
0x76: {  	v4 =	vld.idx.msk [tilespmem:v0+s20+$0x90 ss:$0x1], $0xffff  }
0x77: {  	v31 =	vld.idx.msk [tilespmem:v1+s20+$0x90 ss:$0x1], $0xffff;
	_ =	sdelay $0x4  }
0x78: {  	v4 =	vsub.f32 v4, v31;
	_ =	sdelay $0x1  }
0x79: {  	v4 =	vmul.f32 v4, v30;
	_ =	sdelay $0x1  }
0x7a: {  	[tilespmem:v2+s20+$0x90 ss:$0x1] =	vst.idx.msk $0xffff, v4  }
0x7b: {  	v4 =	vld.idx.msk [tilespmem:v0+s20+$0xA0 ss:$0x1], $0xffff  }
0x7c: {  	v32 =	vld.idx.msk [tilespmem:v1+s20+$0xA0 ss:$0x1], $0xffff;
	_ =	sdelay $0x4  }
0x7d: {  	v33 =	vbroadcast v3, $0x5;
	v4 =	vsub.f32 v4, v32;
	_ =	sdelay $0x1  }
0x7e: {  	v4 =	vmul.f32 v4, v33;
	_ =	sdelay $0x1  }
0x7f: {  	[tilespmem:v2+s20+$0xA0 ss:$0x1] =	vst.idx.msk $0xffff, v4  }
0x80: {  	v4 =	vld.idx.msk [tilespmem:v0+s20+$0xB0 ss:$0x1], $0xffff  }
0x81: {  	v34 =	vld.idx.msk [tilespmem:v1+s20+$0xB0 ss:$0x1], $0xffff;
	_ =	sdelay $0x4  }
0x82: {  	v4 =	vsub.f32 v4, v34;
	_ =	sdelay $0x1  }
0x83: {  	v4 =	vmul.f32 v4, v33;
	_ =	sdelay $0x1  }
0x84: {  	[tilespmem:v2+s20+$0xB0 ss:$0x1] =	vst.idx.msk $0xffff, v4  }
0x85: {  	v4 =	vld.idx.msk [tilespmem:v0+s20+$0xC0 ss:$0x1], $0xffff  }
0x86: {  	v35 =	vld.idx.msk [tilespmem:v1+s20+$0xC0 ss:$0x1], $0xffff;
	_ =	sdelay $0x4  }
0x87: {  	v36 =	vbroadcast v3, $0x6;
	v4 =	vsub.f32 v4, v35;
	_ =	sdelay $0x1  }
0x88: {  	v4 =	vmul.f32 v4, v36;
	_ =	sdelay $0x1  }
0x89: {  	[tilespmem:v2+s20+$0xC0 ss:$0x1] =	vst.idx.msk $0xffff, v4  }
0x8a: {  	v4 =	vld.idx.msk [tilespmem:v0+s20+$0xD0 ss:$0x1], $0xffff  }
0x8b: {  	v37 =	vld.idx.msk [tilespmem:v1+s20+$0xD0 ss:$0x1], $0xffff;
	_ =	sdelay $0x4  }
0x8c: {  	v4 =	vsub.f32 v4, v37;
	_ =	sdelay $0x1  }
0x8d: {  	v4 =	vmul.f32 v4, v36;
	_ =	sdelay $0x1  }
0x8e: {  	[tilespmem:v2+s20+$0xD0 ss:$0x1] =	vst.idx.msk $0xffff, v4  }
0x8f: {  	v4 =	vld.idx.msk [tilespmem:v0+s20+$0xE0 ss:$0x1], $0xffff  }
0x90: {  	v38 =	vld.idx.msk [tilespmem:v1+s20+$0xE0 ss:$0x1], $0xffff;
	_ =	sdelay $0x4  }
0x91: {  	v39 =	vbroadcast v3, $0x7;
	v4 =	vsub.f32 v4, v38;
	_ =	sdelay $0x1  }
0x92: {  	v4 =	vmul.f32 v4, v39;
	_ =	sdelay $0x1  }
0x93: {  	[tilespmem:v2+s20+$0xE0 ss:$0x1] =	vst.idx.msk $0xffff, v4  }
0x94: {  	v4 =	vld.idx.msk [tilespmem:v0+s20+$0xF0 ss:$0x1], $0xffff  }
0x95: {  	v40 =	vld.idx.msk [tilespmem:v1+s20+$0xF0 ss:$0x1], $0xffff;
	_ =	sdelay $0x4  }
0x96: {  	v4 =	vsub.f32 v4, v40;
	_ =	sdelay $0x1  }
0x97: {  	v4 =	vmul.f32 v4, v39;
	_ =	sdelay $0x1  }
0x98: {  	[tilespmem:v2+s20+$0xF0 ss:$0x1] =	vst.idx.msk $0xffff, v4  }
0x99: {  	v4 =	vld.idx.msk [tilespmem:v0+s20+$0x100 ss:$0x1], $0xffff  }
0x9a: {  	v41 =	vld.idx.msk [tilespmem:v1+s20+$0x100 ss:$0x1], $0xffff;
	_ =	sdelay $0x4  }
0x9b: {  	v42 =	vbroadcast v3, $0x8;
	v4 =	vsub.f32 v4, v41;
	_ =	sdelay $0x1  }
0x9c: {  	v4 =	vmul.f32 v4, v42;
	_ =	sdelay $0x1  }
0x9d: {  	[tilespmem:v2+s20+$0x100 ss:$0x1] =	vst.idx.msk $0xffff, v4  }
0x9e: {  	v4 =	vld.idx.msk [tilespmem:v0+s20+$0x110 ss:$0x1], $0xffff  }
0x9f: {  	v43 =	vld.idx.msk [tilespmem:v1+s20+$0x110 ss:$0x1], $0xffff;
	_ =	sdelay $0x4  }
0xa0: {  	v4 =	vsub.f32 v4, v43;
	_ =	sdelay $0x1  }
0xa1: {  	v4 =	vmul.f32 v4, v42;
	_ =	sdelay $0x1  }
0xa2: {  	[tilespmem:v2+s20+$0x110 ss:$0x1] =	vst.idx.msk $0xffff, v4  }
0xa3: {  	v4 =	vld.idx.msk [tilespmem:v0+s20+$0x120 ss:$0x1], $0xffff  }
0xa4: {  	v44 =	vld.idx.msk [tilespmem:v1+s20+$0x120 ss:$0x1], $0xffff;
	_ =	sdelay $0x4  }
0xa5: {  	v45 =	vbroadcast v3, $0x9;
	v4 =	vsub.f32 v4, v44;
	_ =	sdelay $0x1  }
0xa6: {  	v4 =	vmul.f32 v4, v45;
	_ =	sdelay $0x1  }
0xa7: {  	[tilespmem:v2+s20+$0x120 ss:$0x1] =	vst.idx.msk $0xffff, v4  }
0xa8: {  	v4 =	vld.idx.msk [tilespmem:v0+s20+$0x130 ss:$0x1], $0xffff  }
0xa9: {  	v46 =	vld.idx.msk [tilespmem:v1+s20+$0x130 ss:$0x1], $0xffff;
	_ =	sdelay $0x4  }
0xaa: {  	v4 =	vsub.f32 v4, v46;
	_ =	sdelay $0x1  }
0xab: {  	v4 =	vmul.f32 v4, v45;
	_ =	sdelay $0x1  }
0xac: {  	[tilespmem:v2+s20+$0x130 ss:$0x1] =	vst.idx.msk $0xffff, v4  }
0xad: {  	v4 =	vld.idx.msk [tilespmem:v0+s20+$0x140 ss:$0x1], $0xffff  }
0xae: {  	v47 =	vld.idx.msk [tilespmem:v1+s20+$0x140 ss:$0x1], $0xffff;
	_ =	sdelay $0x4  }
0xaf: {  	v48 =	vbroadcast v3, $0xA;
	v4 =	vsub.f32 v4, v47;
	_ =	sdelay $0x1  }
0xb0: {  	v4 =	vmul.f32 v4, v48;
	_ =	sdelay $0x1  }
0xb1: {  	[tilespmem:v2+s20+$0x140 ss:$0x1] =	vst.idx.msk $0xffff, v4  }
0xb2: {  	v4 =	vld.idx.msk [tilespmem:v0+s20+$0x150 ss:$0x1], $0xffff  }
0xb3: {  	v49 =	vld.idx.msk [tilespmem:v1+s20+$0x150 ss:$0x1], $0xffff;
	_ =	sdelay $0x4  }
0xb4: {  	v4 =	vsub.f32 v4, v49;
	_ =	sdelay $0x1  }
0xb5: {  	v4 =	vmul.f32 v4, v48;
	_ =	sdelay $0x1  }
0xb6: {  	[tilespmem:v2+s20+$0x150 ss:$0x1] =	vst.idx.msk $0xffff, v4  }
0xb7: {  	v4 =	vld.idx.msk [tilespmem:v0+s20+$0x160 ss:$0x1], $0xffff  }
0xb8: {  	v50 =	vld.idx.msk [tilespmem:v1+s20+$0x160 ss:$0x1], $0xffff;
	_ =	sdelay $0x4  }
0xb9: {  	v51 =	vbroadcast v3, $0xB;
	v4 =	vsub.f32 v4, v50;
	_ =	sdelay $0x1  }
0xba: {  	v4 =	vmul.f32 v4, v51;
	_ =	sdelay $0x1  }
0xbb: {  	[tilespmem:v2+s20+$0x160 ss:$0x1] =	vst.idx.msk $0xffff, v4  }
0xbc: {  	v4 =	vld.idx.msk [tilespmem:v0+s20+$0x170 ss:$0x1], $0xffff  }
0xbd: {  	v52 =	vld.idx.msk [tilespmem:v1+s20+$0x170 ss:$0x1], $0xffff;
	_ =	sdelay $0x4  }
0xbe: {  	v4 =	vsub.f32 v4, v52;
	_ =	sdelay $0x1  }
0xbf: {  	v4 =	vmul.f32 v4, v51;
	_ =	sdelay $0x1  }
0xc0: {  	[tilespmem:v2+s20+$0x170 ss:$0x1] =	vst.idx.msk $0xffff, v4  }
0xc1: {  	v4 =	vld.idx.msk [tilespmem:v0+s20+$0x180 ss:$0x1], $0xffff  }
0xc2: {  	v53 =	vld.idx.msk [tilespmem:v1+s20+$0x180 ss:$0x1], $0xffff;
	_ =	sdelay $0x4  }
0xc3: {  	v54 =	vbroadcast v3, $0xC;
	v4 =	vsub.f32 v4, v53;
	_ =	sdelay $0x1  }
0xc4: {  	v4 =	vmul.f32 v4, v54;
	_ =	sdelay $0x1  }
0xc5: {  	[tilespmem:v2+s20+$0x180 ss:$0x1] =	vst.idx.msk $0xffff, v4  }
0xc6: {  	v4 =	vld.idx.msk [tilespmem:v0+s20+$0x190 ss:$0x1], $0xffff  }
0xc7: {  	v55 =	vld.idx.msk [tilespmem:v1+s20+$0x190 ss:$0x1], $0xffff;
	_ =	sdelay $0x4  }
0xc8: {  	v4 =	vsub.f32 v4, v55;
	_ =	sdelay $0x1  }
0xc9: {  	v4 =	vmul.f32 v4, v54;
	_ =	sdelay $0x1  }
0xca: {  	[tilespmem:v2+s20+$0x190 ss:$0x1] =	vst.idx.msk $0xffff, v4  }
0xcb: {  	v4 =	vld.idx.msk [tilespmem:v0+s20+$0x1A0 ss:$0x1], $0xffff  }
0xcc: {  	v56 =	vld.idx.msk [tilespmem:v1+s20+$0x1A0 ss:$0x1], $0xffff;
	_ =	sdelay $0x4  }
0xcd: {  	v57 =	vbroadcast v3, $0xD;
	v4 =	vsub.f32 v4, v56;
	_ =	sdelay $0x1  }
0xce: {  	v4 =	vmul.f32 v4, v57;
	_ =	sdelay $0x1  }
0xcf: {  	[tilespmem:v2+s20+$0x1A0 ss:$0x1] =	vst.idx.msk $0xffff, v4  }
0xd0: {  	v4 =	vld.idx.msk [tilespmem:v0+s20+$0x1B0 ss:$0x1], $0xffff  }
0xd1: {  	v58 =	vld.idx.msk [tilespmem:v1+s20+$0x1B0 ss:$0x1], $0xffff;
	_ =	sdelay $0x4  }
0xd2: {  	v4 =	vsub.f32 v4, v58;
	_ =	sdelay $0x1  }
0xd3: {  	v4 =	vmul.f32 v4, v57;
	_ =	sdelay $0x1  }
0xd4: {  	[tilespmem:v2+s20+$0x1B0 ss:$0x1] =	vst.idx.msk $0xffff, v4  }
0xd5: {  	v4 =	vld.idx.msk [tilespmem:v0+s20+$0x1C0 ss:$0x1], $0xffff  }
0xd6: {  	v59 =	vld.idx.msk [tilespmem:v1+s20+$0x1C0 ss:$0x1], $0xffff;
	_ =	sdelay $0x4  }
0xd7: {  	v60 =	vbroadcast v3, $0xE;
	v4 =	vsub.f32 v4, v59;
	_ =	sdelay $0x1  }
0xd8: {  	v4 =	vmul.f32 v4, v60;
	_ =	sdelay $0x1  }
0xd9: {  	[tilespmem:v2+s20+$0x1C0 ss:$0x1] =	vst.idx.msk $0xffff, v4  }
0xda: {  	v4 =	vld.idx.msk [tilespmem:v0+s20+$0x1D0 ss:$0x1], $0xffff  }
0xdb: {  	v61 =	vld.idx.msk [tilespmem:v1+s20+$0x1D0 ss:$0x1], $0xffff;
	_ =	sdelay $0x4  }
0xdc: {  	v4 =	vsub.f32 v4, v61;
	_ =	sdelay $0x1  }
0xdd: {  	v4 =	vmul.f32 v4, v60;
	_ =	sdelay $0x1  }
0xde: {  	[tilespmem:v2+s20+$0x1D0 ss:$0x1] =	vst.idx.msk $0xffff, v4  }
0xdf: {  	v4 =	vld.idx.msk [tilespmem:v0+s20+$0x1E0 ss:$0x1], $0xffff  }
0xe0: {  	v62 =	vld.idx.msk [tilespmem:v1+s20+$0x1E0 ss:$0x1], $0xffff;
	_ =	sdelay $0x4  }
0xe1: {  	v3 =	vbroadcast v3, $0xF;
	v4 =	vsub.f32 v4, v62;
	_ =	sdelay $0x1  }
0xe2: {  	v4 =	vmul.f32 v4, v3;
	_ =	sdelay $0x1  }
0xe3: {  	[tilespmem:v2+s20+$0x1E0 ss:$0x1] =	vst.idx.msk $0xffff, v4  }
0xe4: {  	v4 =	vld.idx.msk [tilespmem:v0+s20+$0x1F0 ss:$0x1], $0xffff  }
0xe5: {  	v63 =	vld.idx.msk [tilespmem:v1+s20+$0x1F0 ss:$0x1], $0xffff;
	_ =	sdelay $0x3  }
0xe6: {  	p0 =	sne.s32 s0, $0x3800  }
.Ltmp0:
0xe7: {  	v4 =	vsub.f32 v4, v63;
	(pc) =	sbr.rel @p0 .LBB2_3-.Ltmp0, $3  }
0xe8: {  	_ = 	snop  }
0xe9: {  	v3 =	vmul.f32 v4, v3;
	_ =	sdelay $0x1  }
0xea: {  	s26 =	sadd.s32 $0x10, s26;
	s0 =	sadd.s32 $0x800, s0;
	[tilespmem:v2+s20+$0x1F0 ss:$0x1] =	vst.idx.msk $0xffff, v3  }
0xeb: {  	s26 =	sshll.u32 s31, $0x7;
	s31 =	sadd.s32 $0x1, s31  }
0xec: {  	p0 =	sne.s32 s31, $0x28  }
.Ltmp1:
0xed: {  	s0 =	sshll.u32 s2, $0xC;
	(pc) =	sbr.rel @p0 .LBB2_2-.Ltmp1, $4  }
0xee: {  	s19 =	sadd.s32 $0x80, s19;
	s28 =	sadd.s32 $0x1000, s28;
	s0 =	sadd.s32 $0x9C00, s0  }
0xef: {  	[spmem:s3] =	stream.indirect.scatter.add.f32 [tilespmem:s0], [sflag:$0x3], $0x20, s26, s18, $0xb8;
	[tilespmem:$0x16C00] =	vst v63  }
0xf0: {  	s30 =	sadd.s32 $0x1000, s30;
	s29 =	sadd.s32 $0x1000, s29;
	s2 =	sadd.s32 $0x1400, s26  }
0xf1: {  	[spmem:s4] =	stream.indirect.scatter.add.f32 [tilespmem:s0], [sflag:$0x3], $0x20, s2, s18, $0xb8;
	[tilespmem:$0x16C00] =	vst v63  }
0xf2: {  	_ =	swait.ge [sflag:s24], $0x1000  }
0xf3: {  	[sflag:s24] =	ssyncset.done $0x0  }
0xf4: {  	[sflag:s24] =	ssyncadd.s32 $0xFFFFF000  }
0xf5: {  	_ =	swait.ge [sflag:s24], $0x1000  }
0xf6: {  	[sflag:s24] =	ssyncset.done $0x0  }
0xf7: {  	[sflag:s24] =	ssyncadd.s32 $0xFFFFF000  }
0xf8: {  	_ =	swait.ge [sflag:s24], $0x1000  }
0xf9: {  	[sflag:s24] =	ssyncset.done $0x0  }
0xfa: {  	[sflag:s24] =	ssyncadd.s32 $0xFFFFF000  }
0xfb: {  	_ =	swait.ge [sflag:s24], $0x1000  }
0xfc: {  	[sflag:s24] =	ssyncset.done $0x0  }
0xfd: {  	[sflag:s24] =	ssyncadd.s32 $0xFFFFF000  }
0xfe: {  	_ =	swait.ge [sflag:s24], $0x1000  }
0xff: {  	[sflag:s24] =	ssyncset.done $0x0  }
0x100: {  	[sflag:s24] =	ssyncadd.s32 $0xFFFFF000  }
0x101: {  	_ =	swait.ge [sflag:s24], $0x1000  }
0x102: {  	[sflag:s24] =	ssyncset.done $0x0  }
0x103: {  	[sflag:s24] =	ssyncadd.s32 $0xFFFFF000  }
0x104: {  	[bflag:$0x0] =	sbarrier.arrive $0xFFFF  }
0x105: {  	[hbm:s10], [sflag:s15] =	dma.local [spmem:s16], $0xA00  }
0x106: {  	s25 =	sadd.s32 $0x1, s25;
	_ =	swait.ge [sflag:s13], $0xA00  }
0x107: {  	p0 =	sne.s32 s25, s12;
	[sflag:s13] =	ssyncset.done $0x0  }
.Ltmp2:
0x108: {  	[sflag:s13] =	ssyncadd.s32 $0xFFFFF600;
	(pc) =	sbr.rel @p0 .LBB2_1-.Ltmp2, $4  }
0x109: {  	[hbm:s11], [sflag:s15] =	dma.local [spmem:s17], $0xA00  }
0x10a: {  	_ =	swait.ge [sflag:s13], $0xA00  }
0x10b: {  	[sflag:s13] =	ssyncset.done $0x0  }
0x10c: {  	[sflag:s13] =	ssyncadd.s32 $0xFFFFF600  }
0x10d: {  	_ =	sfence.sel $0x180000  }
0x10e: {  	[bflag:$0x0] =	sbarrier.arrive $0xFFFF  }
0x10f: {  	_ =	strace $0x90000047  }
0x110: {  	s0 =	stileid.u32;
	[bflag:$0x2] =	sbarrier.arrive $0xFFFF  }
0x111: {  	p0 =	sne.s32 s0, $0x0;
	s0 =	rddreg [dreg:$0x4]  }
0x112: {  	s0 =	sadd.s32 @!p0 $0x100000, s0  }
0x113: {  	[sflag:s0] =	ssyncadd.tile.s32 @!p0 $0x1;
	_ =	shalt  }
.Lfunc_end2:
_tile_overlayer_lowered:
.L_overlay_start_2:
0x114: {  	(tag) =	ssettag $0x2  }
0x115: {  	s0 =	rddreg [dreg:$0x0];
	s2 =	stileid.u32  }
0x116: {  	s1 =	rddreg [dreg:$0x1];
	p0 =	sne.s32 s2, $0x0  }
0x117: {  	s3 =	rddreg [dreg:$0x2];
	[bflag:$0x3] =	sbarrier.arrive $0xFFFF;
	s2 =	simm.s32 @!p0 $0x1C04  }
0x118: {  	[timem:s3], [sflag:s2] =	dma.local @!p0 [hbm:s0], s1  }
0x119: {  	s0 =	simm.s32 @!p0 $0x4  }
0x11a: {  	_ =	swait.ge @!p0 [sflag:s0], s1  }
0x11b: {  	s1 =	ssub.s32 @!p0 $0x0, s1;
	[sflag:s0] =	ssyncset.done @!p0 $0x0  }
0x11c: {  	[sflag:s0] =	ssyncadd.s32 @!p0 s1  }
0x11d: {  	[bflag:$0x3] =	sbarrier.arrive $0xFFFF  }
0x11e: {  	_ =	shalt  }

</sc_bundles>
